<compile_context>
chip_gen: v7x
topology: tpu7x:2x2x1
jax: 0.10.2.dev20260603
libtpu: 0.0.44.dev20260713+nightly
codegen_flags: <defaults>
</compile_context>

<pallas_src>
import functools

import jax
import jax.numpy as jnp
from jax import lax
from jax.experimental import pallas as pl
from jax.experimental.pallas import tpu as pltpu
from jax.experimental.pallas import tpu_sc as plsc

B = 4
N = 2048
M = 2048
CIN = 256
D = 128
K = 16
DH = 512
TOT = B * N * K

_HI = lax.Precision.HIGHEST
_F32 = jnp.float32


def _dot(a, b, dims):
    return lax.dot_general(a, b, (dims, ((), ())), precision=_HI,
                           preferred_element_type=_F32)


def _dotbf(a, b, dims):
    return lax.dot_general(a.astype(jnp.bfloat16), b.astype(jnp.bfloat16),
                           (dims, ((), ())), preferred_element_type=_F32)


def _bf_bits(x):
    return lax.bitcast_convert_type(
        x.astype(jnp.bfloat16).astype(_F32), jnp.int32)


def _p1_body(fq, fs, pq, ps, qw, qb, kw, kb, vw, vb, e3,
             qt_ref, kvt_ref, pqt_ref, pst_ref):
    f_q = fq[0]
    f_s = fs[0]
    qt_ref[0] = _dotbf(f_q, qw[...], ((0,), (1,))) + qb[...]
    kres = _dotbf(f_s, kw[...], ((0,), (1,))) + kb[...]
    vres = _dotbf(f_s, vw[...], ((0,), (1,))) + vb[...]
    kvt_ref[0] = jnp.bitwise_or(
        _bf_bits(kres), lax.shift_right_logical(_bf_bits(vres), 16))
    pqt_ref[0] = _dot(pq[0], e3[...], ((0,), (0,)))
    pst_ref[0] = _dot(ps[0], e3[...], ((0,), (0,)))


def _p1(fq, fs, pq, ps, qw, qb, kw, kb, vw, vb):
    e3 = jnp.eye(3, 16, dtype=_F32)
    full = lambda *s: pl.BlockSpec(s, lambda b: (0,) * len(s))
    return pl.pallas_call(
        _p1_body,
        grid=(B,),
        in_specs=[
            pl.BlockSpec((1, CIN, N), lambda b: (b, 0, 0)),
            pl.BlockSpec((1, CIN, M), lambda b: (b, 0, 0)),
            pl.BlockSpec((1, 3, N), lambda b: (b, 0, 0)),
            pl.BlockSpec((1, 3, M), lambda b: (b, 0, 0)),
            full(D, CIN), full(1, D), full(D, CIN), full(1, D),
            full(D, CIN), full(1, D), full(3, 16),
        ],
        out_specs=[
            pl.BlockSpec((1, N, D), lambda b: (b, 0, 0)),
            pl.BlockSpec((1, M, D), lambda b: (b, 0, 0)),
            pl.BlockSpec((1, N, 16), lambda b: (b, 0, 0)),
            pl.BlockSpec((1, M, 16), lambda b: (b, 0, 0)),
        ],
        out_shape=[
            jax.ShapeDtypeStruct((B, N, D), _F32),
            jax.ShapeDtypeStruct((B, M, D), jnp.int32),
            jax.ShapeDtypeStruct((B, N, 16), _F32),
            jax.ShapeDtypeStruct((B, M, 16), _F32),
        ],
    )(fq, fs, pq, ps, qw, qb.reshape(1, D), kw, kb.reshape(1, D),
      vw, vb.reshape(1, D), e3)


TN2 = 512


def _p2_body(pqt, pst, ps, gidx_ref):
    b = pl.program_id(0)
    qt = pqt[0]
    st = pst[0]
    dot = lax.dot_general(qt.astype(jnp.bfloat16), st.astype(jnp.bfloat16),
                          (((1,), (1,)), ((), ())),
                          preferred_element_type=_F32)
    qn = jnp.sum(qt * qt, axis=1, keepdims=True)
    sn = jnp.sum(ps[0] * ps[0], axis=0, keepdims=True)
    negd = 2.0 * dot - qn - sn
    iot = lax.broadcasted_iota(jnp.int32, (TN2, M), 1)
    lane16 = lax.broadcasted_iota(jnp.int32, (TN2, 16), 1)
    acc = jnp.zeros((TN2, 16), jnp.int32)
    for j in range(K):
        sel = jnp.argmax(negd, axis=1).astype(jnp.int32)[:, None]
        acc = jnp.where(lane16 == j, sel, acc)
        negd = jnp.where(iot == sel, -jnp.inf, negd)
    gidx_ref[0] = acc + b * M


def _p2(pqt, pst, ps):
    return pl.pallas_call(
        _p2_body,
        grid=(B, N // TN2),
        in_specs=[
            pl.BlockSpec((1, TN2, 16), lambda b, i: (b, i, 0)),
            pl.BlockSpec((1, M, 16), lambda b, i: (b, 0, 0)),
            pl.BlockSpec((1, 3, M), lambda b, i: (b, 0, 0)),
        ],
        out_specs=pl.BlockSpec((1, TN2, 16), lambda b, i: (b, i, 0)),
        out_shape=jax.ShapeDtypeStruct((B, N, 16), jnp.int32),
    )(pqt, pst, ps)


_NC, _NS = 2, 16
_NW = _NC * _NS
_PER_W = TOT // _NW
_CHKV = 512
_NCHUNK_KV = _PER_W // _CHKV


def _sc_gather(kvt, pt, gidx):
    mesh = plsc.VectorSubcoreMesh(core_axis_name="c", subcore_axis_name="s")

    @functools.partial(
        pl.kernel, mesh=mesh,
        out_type=[
            jax.ShapeDtypeStruct((TOT, D), jnp.int32),
            jax.ShapeDtypeStruct((TOT, 16), _F32),
        ],
        scratch_types=[
            pltpu.VMEM((_CHKV,), jnp.int32),
            pltpu.VMEM((_CHKV, D), jnp.int32),
            pltpu.VMEM((_CHKV, 16), _F32),
            pltpu.SemaphoreType.DMA,
            pltpu.SemaphoreType.DMA,
        ],
        compiler_params=pltpu.CompilerParams(use_tc_tiling_on_sc=False),
    )
    def run(kv_hbm, pt_hbm, idx_hbm, kvg_hbm, pg_hbm, idx_v, rows, prows,
            sem1, sem2):
        wid = lax.axis_index("s") * _NC + lax.axis_index("c")

        def body(c, _):
            base = pl.multiple_of(wid * _PER_W + c * _CHKV, _CHKV)
            pltpu.sync_copy(idx_hbm.at[pl.ds(base, _CHKV)], idx_v)
            cp1 = pltpu.async_copy(kv_hbm.at[idx_v], rows, sem1)
            cp2 = pltpu.async_copy(pt_hbm.at[idx_v], prows, sem2)
            cp1.wait()
            cp2.wait()
            pltpu.sync_copy(rows, kvg_hbm.at[pl.ds(base, _CHKV)])
            pltpu.sync_copy(prows, pg_hbm.at[pl.ds(base, _CHKV)])
            return _

        lax.fori_loop(0, _NCHUNK_KV, body, None)

    return run(kvt, pt, gidx)


TP = 2048
TQ = TP // K


def _rep_rows(x, reps, width):
    return jnp.broadcast_to(x[:, None, :], (TQ, reps, width)).reshape(
        TQ * reps, width)


def _bn_fold(s1_ref, s2_ref, wt, bias, gamma, beta):
    inv = 1.0 / float(TOT)
    m1 = jnp.sum(s1_ref[...], axis=0, keepdims=True) * inv
    m2 = s2_ref[...] * inv
    t = _dot(m1, wt, ((1,), (0,)))
    q = jnp.sum(wt * _dot(m2, wt, ((1,), (0,))), axis=0, keepdims=True)
    var = q - t * t
    s = gamma * lax.rsqrt(var + 1e-5)
    return wt * s, (bias - (t + bias)) * s + beta


def _pos_emb(pg_t, pqt, pw1f, pb1f, pw2t, pb2):
    pr = _rep_rows(pqt, K, 16) - pg_t
    h = jnp.maximum(_dotbf(pr, pw1f, ((1,), (0,))) + pb1f, 0.0)
    return _dotbf(h, pw2t, ((1,), (0,))) + pb2


def _unpack_k(w):
    return lax.bitcast_convert_type(
        jnp.bitwise_and(w, jnp.int32(-65536)), _F32)


def _unpack_v(w):
    return lax.bitcast_convert_type(lax.shift_left(w, 16), _F32)


def _p45_body(kv_t, pg_t, qt, pqt, pw1t, pb1, pgam, pbt, pw2t, pb2,
              aw1t, ab1, agam, abt,
              aw1f_ref, ab1f_ref, pw1f_ref, pb1f_ref,
              s1_ref, s2_ref, sx_ref, sxx_ref):
    t = pl.program_id(0)
    i = pl.program_id(1)
    last = pl.num_programs(1) - 1

    @pl.when(t == 0)
    def _():
        pr = _rep_rows(pqt[...], K, 16) - pg_t[...]
        ps1 = jnp.sum(pr.reshape(TP // 8, 8, 16), axis=0)
        ps2 = _dotbf(pr, pr, ((0,), (0,)))

        @pl.when(i == 0)
        def _():
            s1_ref[...] = jnp.zeros_like(s1_ref)
            s2_ref[...] = jnp.zeros_like(s2_ref)

        s1_ref[...] += ps1
        s2_ref[...] += ps2

        @pl.when(i == last)
        def _():
            wf, bf = _bn_fold(s1_ref, s2_ref, pw1t[...], pb1[...],
                              pgam[...], pbt[...])
            pw1f_ref[...] = wf
            pb1f_ref[...] = bf

    @pl.when(t == 1)
    def _():
        pe = _pos_emb(pg_t[...], pqt[...], pw1f_ref[...], pb1f_ref[...],
                      pw2t[...], pb2[...])
        xv = _rep_rows(qt[...], K, D) - _unpack_k(kv_t[...]) + pe

        @pl.when(i == 0)
        def _():
            sx_ref[...] = jnp.zeros_like(sx_ref)
            sxx_ref[...] = jnp.zeros_like(sxx_ref)

        sx_ref[...] += jnp.sum(xv.reshape(TP // 8, 8, D), axis=0)
        sxx_ref[...] += _dotbf(xv, xv, ((0,), (0,)))

        @pl.when(i == last)
        def _():
            wf, bf = _bn_fold(sx_ref, sxx_ref, aw1t[...], ab1[...],
                              agam[...], abt[...])
            aw1f_ref[...] = wf
            ab1f_ref[...] = bf


def _p45(kvg, pgat, qt_flat, pqt_flat, pw1t, pb1, pgam, pbt, pw2t, pb2,
         aw1t, ab1, agam, abt):
    full = lambda *s: pl.BlockSpec(s, lambda t, i: (0,) * len(s))
    return pl.pallas_call(
        _p45_body,
        grid=(2, TOT // TP),
        in_specs=[
            pl.BlockSpec((TP, D), lambda t, i: (i * t, 0)),
            pl.BlockSpec((TP, 16), lambda t, i: (i, 0)),
            pl.BlockSpec((TQ, D), lambda t, i: (i * t, 0)),
            pl.BlockSpec((TQ, 16), lambda t, i: (i, 0)),
            full(16, D), full(1, D), full(1, D), full(1, D),
            full(D, D), full(1, D),
            full(D, DH), full(1, DH), full(1, DH), full(1, DH),
        ],
        out_specs=[
            pl.BlockSpec((D, DH), lambda t, i: (0, 0)),
            pl.BlockSpec((1, DH), lambda t, i: (0, 0)),
            pl.BlockSpec((16, D), lambda t, i: (0, 0)),
            pl.BlockSpec((1, D), lambda t, i: (0, 0)),
        ],
        out_shape=[
            jax.ShapeDtypeStruct((D, DH), _F32),
            jax.ShapeDtypeStruct((1, DH), _F32),
            jax.ShapeDtypeStruct((16, D), _F32),
            jax.ShapeDtypeStruct((1, D), _F32),
        ],
        scratch_shapes=[
            pltpu.VMEM((8, 16), _F32),
            pltpu.VMEM((16, 16), _F32),
            pltpu.VMEM((8, D), _F32),
            pltpu.VMEM((D, D), _F32),
        ],
    )(kvg, pgat, qt_flat, pqt_flat, pw1t, pb1.reshape(1, D),
      pgam.reshape(1, D), pbt.reshape(1, D), pw2t, pb2.reshape(1, D),
      aw1t, ab1.reshape(1, DH), agam.reshape(1, DH), abt.reshape(1, DH))


def _p6_body(kv_t, pg_t, qt, pqt, fq_t, pw1f, pb1f, pw2t, pb2,
             aw1f, ab1f, aw2t, ab2, ewt, ebc, out_ref):
    pe = _pos_emb(pg_t[...], pqt[...], pw1f[...], pb1f[...], pw2t[...],
                  pb2[...])
    w_kv = kv_t[...]
    xv = _rep_rows(qt[...], K, D) - _unpack_k(w_kv) + pe
    vgp = _unpack_v(w_kv) + pe
    a = jnp.maximum(_dotbf(xv, aw1f[...], ((1,), (0,))) + ab1f[...], 0.0)
    lg = _dotbf(a, aw2t[...], ((1,), (0,))) + ab2[...]
    e = jnp.exp(lg)
    den = jnp.sum(e.reshape(TQ, K, D), axis=1)
    inv = 1.0 / den
    w = e * _rep_rows(inv, K, D) * vgp
    agg = jnp.sum(w.reshape(TQ, K, D), axis=1)
    out_ref[0] = _dotbf(ewt[...], agg, ((1,), (1,))) + ebc[...] + fq_t[0]


def _p6(kvg, pgat, qt_flat, pqt_flat, fq, pw1f, pb1f, pw2t, pb2,
        aw1f, ab1f, aw2t, ab2, ew, eb):
    full = lambda *s: pl.BlockSpec(s, lambda b, i: (0,) * len(s))
    nt = N // TQ
    return pl.pallas_call(
        _p6_body,
        grid=(B, nt),
        in_specs=[
            pl.BlockSpec((TP, D), lambda b, i: (b * nt + i, 0)),
            pl.BlockSpec((TP, 16), lambda b, i: (b * nt + i, 0)),
            pl.BlockSpec((TQ, D), lambda b, i: (b * nt + i, 0)),
            pl.BlockSpec((TQ, 16), lambda b, i: (b * nt + i, 0)),
            pl.BlockSpec((1, CIN, TQ), lambda b, i: (b, 0, i)),
            full(16, D), full(1, D), full(D, D), full(1, D),
            full(D, DH), full(1, DH), full(DH, D), full(1, D),
            full(CIN, D), full(CIN, 1),
        ],
        out_specs=pl.BlockSpec((1, CIN, TQ), lambda b, i: (b, 0, i)),
        out_shape=jax.ShapeDtypeStruct((B, CIN, N), _F32),
    )(kvg, pgat, qt_flat, pqt_flat, fq, pw1f, pb1f, pw2t,
      pb2.reshape(1, D), aw1f, ab1f.reshape(1, DH), aw2t,
      ab2.reshape(1, D), ew, eb.reshape(CIN, 1))


def kernel(pq, fq, ps, fs, qw, qb, kw, kb, vw, vb, pw1, pb1, pg, pbt,
           pw2, pb2, aw1, ab1, ag, abt, aw2, ab2, ew, eb):
    qt, kvt, pqt, pst = _p1(fq, fs, pq, ps, qw, qb, kw, kb, vw, vb)
    gidx = _p2(pqt, pst, ps)
    gfl = gidx.reshape(TOT)
    kvg, pgat = _sc_gather(kvt.reshape(B * M, D),
                           pst.reshape(B * M, 16), gfl)
    pw1t = jnp.concatenate([pw1.T, jnp.zeros((16 - 3, D), _F32)], axis=0)
    qtf = qt.reshape(B * N, D)
    pqf = pqt.reshape(B * N, 16)
    aw1f, ab1f, pw1f, pb1f = _p45(kvg, pgat, qtf, pqf, pw1t, pb1, pg, pbt,
                                  pw2.T, pb2, aw1.T, ab1, ag, abt)
    return _p6(kvg, pgat, qtf, pqf, fq, pw1f, pb1f, pw2.T, pb2,
               aw1f, ab1f, aw2.T, ab2, ew, eb)

# --- scband reference (transcript-rebuilt; emitter-appended) ---
"""Pipeline reference for scband-vector-attention-15298673508394 (READ-ONLY COPY).

The authoritative reference and input builder live on the scoring server;
editing this copy changes nothing except your own understanding.
"""

import jax, jax.numpy as jnp
import numpy as np

B, N, M = 4, 2048, 2048
C_IN, DIM, K, MULT = 256, 128, 16, 4
DH = DIM * MULT


def conv1d(x, w, b):
    # x: [B, C, N], w: [O, C], b: [O]
    return jnp.einsum('oc,bcn->bon', w, x) + b[None, :, None]


def conv2d(x, w, b):
    # x: [B, C, N, K], w: [O, C], b: [O]
    return jnp.einsum('oc,bcnk->bonk', w, x) + b[None, :, None, None]


def bn2d(x, gamma, beta, eps=1e-5):
    mean = jnp.mean(x, axis=(0, 2, 3), keepdims=True)
    var = jnp.var(x, axis=(0, 2, 3), keepdims=True)
    xn = (x - mean) / jnp.sqrt(var + eps)
    return xn * gamma[None, :, None, None] + beta[None, :, None, None]


def query_knn(k, pos_s, pos_q):
    # pos_s: [B, M, 3], pos_q: [B, N, 3] -> idx [B, N, k]
    d = (jnp.sum(pos_q ** 2, -1, keepdims=True)
         - 2.0 * jnp.einsum('bnd,bmd->bnm', pos_q, pos_s)
         + jnp.sum(pos_s ** 2, -1)[:, None, :])
    _, idx = jax.lax.top_k(-d, k)
    return idx


def grouping_operation(feat, idx):
    # feat: [B, C, M], idx: [B, N, k] -> [B, C, N, k]
    def g(f, i):
        return f[:, i]
    return jax.vmap(g)(feat, idx)


def setup_inputs(seed: int = 0):
    key = jax.random.key(seed)
    ks = jax.random.split(key, 32)
    inp = {}
    inp['pq'] = jax.random.normal(ks[0], (B, 3, N), jnp.float32)
    inp['fq'] = jax.random.normal(ks[1], (B, C_IN, N), jnp.float32)
    inp['ps'] = jax.random.normal(ks[2], (B, 3, M), jnp.float32)
    inp['fs'] = jax.random.normal(ks[3], (B, C_IN, M), jnp.float32)
    s = 0.05
    inp['qw'] = jax.random.normal(ks[4], (DIM, C_IN), jnp.float32) * s
    inp['qb'] = jnp.zeros((DIM,), jnp.float32)
    inp['kw'] = jax.random.normal(ks[5], (DIM, C_IN), jnp.float32) * s
    inp['kb'] = jnp.zeros((DIM,), jnp.float32)
    inp['vw'] = jax.random.normal(ks[6], (DIM, C_IN), jnp.float32) * s
    inp['vb'] = jnp.zeros((DIM,), jnp.float32)
    inp['pw1'] = jax.random.normal(ks[7], (DIM, 3), jnp.float32) * s
    inp['pb1'] = jnp.zeros((DIM,), jnp.float32)
    inp['pg'] = jnp.ones((DIM,), jnp.float32)
    inp['pbt'] = jnp.zeros((DIM,), jnp.float32)
    inp['pw2'] = jax.random.normal(ks[8], (DIM, DIM), jnp.float32) * s
    inp['pb2'] = jnp.zeros((DIM,), jnp.float32)
    inp['aw1'] = jax.random.normal(ks[9], (DH, DIM), jnp.float32) * s
    inp['ab1'] = jnp.zeros((DH,), jnp.float32)
    inp['ag'] = jnp.ones((DH,), jnp.float32)
    inp['abt'] = jnp.zeros((DH,), jnp.float32)
    inp['aw2'] = jax.random.normal(ks[10], (DIM, DH), jnp.float32) * s
    inp['ab2'] = jnp.zeros((DIM,), jnp.float32)
    inp['ew'] = jax.random.normal(ks[11], (C_IN, DIM), jnp.float32) * s
    inp['eb'] = jnp.zeros((C_IN,), jnp.float32)
    return inp


def reference(pq, fq, ps, fs, qw, qb, kw, kb, vw, vb,
              pw1, pb1, pg, pbt, pw2, pb2,
              aw1, ab1, ag, abt, aw2, ab2, ew, eb):
    identity = fq
    query = conv1d(fq, qw, qb)
    key_f = conv1d(fs, kw, kb)
    value = conv1d(fs, vw, vb)
    Bq, D, Nq = query.shape
    pos_flipped_1 = jnp.transpose(ps, (0, 2, 1))
    pos_flipped_2 = jnp.transpose(pq, (0, 2, 1))
    idx_knn = query_knn(K, pos_flipped_1, pos_flipped_2)
    key_g = grouping_operation(key_f, idx_knn)
    qk_rel = query.reshape((Bq, -1, Nq, 1)) - key_g
    pos_rel = pq.reshape((Bq, -1, Nq, 1)) - grouping_operation(ps, idx_knn)
    # pos_mlp
    h = conv2d(pos_rel, pw1, pb1)
    h = jax.nn.relu(bn2d(h, pg, pbt))
    pos_embedding = conv2d(h, pw2, pb2)
    # attn_mlp
    a = conv2d(qk_rel + pos_embedding, aw1, ab1)
    a = jax.nn.relu(bn2d(a, ag, abt))
    attention = conv2d(a, aw2, ab2)
    attention = jax.nn.softmax(attention, axis=-1)
    value_g = grouping_operation(value, idx_knn) + pos_embedding
    agg = jnp.sum(attention * value_g, axis=-1)  # b c i j, b c i j -> b c i
    output = conv1d(agg, ew, eb) + identity
    return output

if __name__ == "__main__":
    import jax
    _d = setup_inputs()
    print(jax.jit(kernel)(*tuple(_d.values())))

</pallas_src>

<mosaic_0001>
#map = affine_map<(d0, d1) -> (0, 0)>
#map1 = affine_map<(d0, d1) -> (0)>
module attributes {stable_mosaic.version = 14 : i64} {
  func.func @run(%arg0: i32, %arg1: i32, %arg2: memref<8192x128xi32, #tpu.memory_space<hbm>>, %arg3: memref<8192x16xf32, #tpu.memory_space<hbm>>, %arg4: memref<131072xi32, #tpu.memory_space<hbm>>, %arg5: memref<131072x128xi32, #tpu.memory_space<hbm>>, %arg6: memref<131072x16xf32, #tpu.memory_space<hbm>>, %arg7: memref<512xi32, #tpu.memory_space<vmem>>, %arg8: memref<512x128xi32, #tpu.memory_space<vmem>>, %arg9: memref<512x16xf32, #tpu.memory_space<vmem>>, %arg10: memref<!tpu.dma_semaphore, #tpu.memory_space<semaphore_mem>>, %arg11: memref<!tpu.dma_semaphore, #tpu.memory_space<semaphore_mem>>) attributes {dimension_semantics = [#tpu.dimension_semantics<core_parallel>, #tpu.dimension_semantics<subcore_parallel>], iteration_bounds = array<i64: 2, 16>, scalar_prefetch = 0 : i64, scratch_operands = 5 : i64, tpu.core_type = #tpu.core_type<sc_vector_subcore>, window_params = [{transform_indices = #map}, {transform_indices = #map}, {transform_indices = #map1}, {transform_indices = #map}, {transform_indices = #map}]} {
    %mul3A = arith.constant 2 : i32
    %mul3A_0 = arith.muli %arg1, %mul3A : i32
    %add3A = arith.addi %mul3A_0, %arg0 : i32
    %scan3A = arith.constant 0 : i32
    %scan3A_1 = arith.constant 8 : i32
    %scan3A_2 = arith.addi %scan3A, %scan3A_1 : i32
    %scan3A_3 = arith.constant 1 : i32
    scf.for %scan3A_5 = %scan3A to %scan3A_2 step %scan3A_3  : i32 {
      %mul3A_6 = arith.constant 4096 : i32
      %mul3A_7 = arith.muli %add3A, %mul3A_6 : i32
      %mul3A_8 = arith.constant 512 : i32
      %mul3A_9 = arith.muli %scan3A_5, %mul3A_8 : i32
      %add3A_10 = arith.addi %mul3A_7, %mul3A_9 : i32
      %multiple_of3A = tpu.assume_multiple %add3A_10, 512 : i32
      "tpu.region"() ({
        %run_scoped3A = tpu.sem_alloc : memref<!tpu.dma_semaphore, #tpu.memory_space<semaphore_mem>>
        %dma_start3A_21 = tpu.memref_slice %arg4[%multiple_of3A] : memref<131072xi32, #tpu.memory_space<hbm>> -> memref<512xi32, #tpu.memory_space<hbm>>
        %dma_start3A_22 = tpu.memref_slice %arg4[%multiple_of3A] : memref<131072xi32, #tpu.memory_space<hbm>> -> memref<512xi32, #tpu.memory_space<hbm>>
        tpu.enqueue_dma source(%dma_start3A_22 : memref<512xi32, #tpu.memory_space<hbm>>) target(%arg7 : memref<512xi32, #tpu.memory_space<vmem>>) target_semaphore(%run_scoped3A : memref<!tpu.dma_semaphore, #tpu.memory_space<semaphore_mem>>)
        %dma_wait3A_23 = tpu.memref_slice %arg4[%multiple_of3A] : memref<131072xi32, #tpu.memory_space<hbm>> -> memref<512xi32, #tpu.memory_space<hbm>>
        %dma_wait3A_24 = tpu.memref_slice %arg4[%multiple_of3A] : memref<131072xi32, #tpu.memory_space<hbm>> -> memref<512xi32, #tpu.memory_space<hbm>>
        tpu.wait_dma2 semaphore(%run_scoped3A : memref<!tpu.dma_semaphore, #tpu.memory_space<semaphore_mem>>) src(%dma_wait3A_24 : memref<512xi32, #tpu.memory_space<hbm>>) dst(%arg7 : memref<512xi32, #tpu.memory_space<vmem>>)
        tpu.yield
      }) : () -> ()
      %dma_start3A = arith.constant 0 : i32
      %dma_start3A_11 = arith.constant 0 : i32
      %dma_start3A_12 = tpu.memref_slice %arg2[%dma_start3A, %dma_start3A_11] : memref<8192x128xi32, #tpu.memory_space<hbm>> -> memref<8192x128xi32, #tpu.memory_space<hbm>>
      tpu.enqueue_indirect_dma source(%dma_start3A_12 : memref<8192x128xi32, #tpu.memory_space<hbm>>) target(%arg8 : memref<512x128xi32, #tpu.memory_space<vmem>>) offsets(%arg7 : memref<512xi32, #tpu.memory_space<vmem>>) semaphore(%arg10 : memref<!tpu.dma_semaphore, #tpu.memory_space<semaphore_mem>>)
      %dma_start3A_13 = arith.constant 0 : i32
      %dma_start3A_14 = arith.constant 0 : i32
      %dma_start3A_15 = tpu.memref_slice %arg3[%dma_start3A_13, %dma_start3A_14] : memref<8192x16xf32, #tpu.memory_space<hbm>> -> memref<8192x16xf32, #tpu.memory_space<hbm>>
      tpu.enqueue_indirect_dma source(%dma_start3A_15 : memref<8192x16xf32, #tpu.memory_space<hbm>>) target(%arg9 : memref<512x16xf32, #tpu.memory_space<vmem>>) offsets(%arg7 : memref<512xi32, #tpu.memory_space<vmem>>) semaphore(%arg11 : memref<!tpu.dma_semaphore, #tpu.memory_space<semaphore_mem>>)
      %dma_wait3A = arith.constant 0 : i32
      %dma_wait3A_16 = arith.constant 0 : i32
      %dma_wait3A_17 = tpu.memref_slice %arg2[%dma_wait3A, %dma_wait3A_16] : memref<8192x128xi32, #tpu.memory_space<hbm>> -> memref<8192x128xi32, #tpu.memory_space<hbm>>
      tpu.wait_indirect_dma semaphore(%arg10 : memref<!tpu.dma_semaphore, #tpu.memory_space<semaphore_mem>>) src(%dma_wait3A_17 : memref<8192x128xi32, #tpu.memory_space<hbm>>) dst(%arg8 : memref<512x128xi32, #tpu.memory_space<vmem>>)
      %dma_wait3A_18 = arith.constant 0 : i32
      %dma_wait3A_19 = arith.constant 0 : i32
      %dma_wait3A_20 = tpu.memref_slice %arg3[%dma_wait3A_18, %dma_wait3A_19] : memref<8192x16xf32, #tpu.memory_space<hbm>> -> memref<8192x16xf32, #tpu.memory_space<hbm>>
      tpu.wait_indirect_dma semaphore(%arg11 : memref<!tpu.dma_semaphore, #tpu.memory_space<semaphore_mem>>) src(%dma_wait3A_20 : memref<8192x16xf32, #tpu.memory_space<hbm>>) dst(%arg9 : memref<512x16xf32, #tpu.memory_space<vmem>>)
      "tpu.region"() ({
        %run_scoped3A = tpu.sem_alloc : memref<!tpu.dma_semaphore, #tpu.memory_space<semaphore_mem>>
        %dma_start3A_21 = arith.constant 0 : i32
        %dma_start3A_22 = tpu.memref_slice %arg5[%multiple_of3A, %dma_start3A_21] : memref<131072x128xi32, #tpu.memory_space<hbm>> -> memref<512x128xi32, #tpu.memory_space<hbm>>
        %dma_start3A_23 = arith.constant 0 : i32
        %dma_start3A_24 = tpu.memref_slice %arg5[%multiple_of3A, %dma_start3A_23] : memref<131072x128xi32, #tpu.memory_space<hbm>> -> memref<512x128xi32, #tpu.memory_space<hbm>>
        tpu.enqueue_dma source(%arg8 : memref<512x128xi32, #tpu.memory_space<vmem>>) target(%dma_start3A_24 : memref<512x128xi32, #tpu.memory_space<hbm>>) target_semaphore(%run_scoped3A : memref<!tpu.dma_semaphore, #tpu.memory_space<semaphore_mem>>)
        %dma_wait3A_25 = arith.constant 0 : i32
        %dma_wait3A_26 = tpu.memref_slice %arg5[%multiple_of3A, %dma_wait3A_25] : memref<131072x128xi32, #tpu.memory_space<hbm>> -> memref<512x128xi32, #tpu.memory_space<hbm>>
        %dma_wait3A_27 = arith.constant 0 : i32
        %dma_wait3A_28 = tpu.memref_slice %arg5[%multiple_of3A, %dma_wait3A_27] : memref<131072x128xi32, #tpu.memory_space<hbm>> -> memref<512x128xi32, #tpu.memory_space<hbm>>
        tpu.wait_dma2 semaphore(%run_scoped3A : memref<!tpu.dma_semaphore, #tpu.memory_space<semaphore_mem>>) src(%arg8 : memref<512x128xi32, #tpu.memory_space<vmem>>) dst(%dma_wait3A_28 : memref<512x128xi32, #tpu.memory_space<hbm>>)
        tpu.yield
      }) : () -> ()
      "tpu.region"() ({
        %run_scoped3A = tpu.sem_alloc : memref<!tpu.dma_semaphore, #tpu.memory_space<semaphore_mem>>
        %dma_start3A_21 = arith.constant 0 : i32
        %dma_start3A_22 = tpu.memref_slice %arg6[%multiple_of3A, %dma_start3A_21] : memref<131072x16xf32, #tpu.memory_space<hbm>> -> memref<512x16xf32, #tpu.memory_space<hbm>>
        %dma_start3A_23 = arith.constant 0 : i32
        %dma_start3A_24 = tpu.memref_slice %arg6[%multiple_of3A, %dma_start3A_23] : memref<131072x16xf32, #tpu.memory_space<hbm>> -> memref<512x16xf32, #tpu.memory_space<hbm>>
        tpu.enqueue_dma source(%arg9 : memref<512x16xf32, #tpu.memory_space<vmem>>) target(%dma_start3A_24 : memref<512x16xf32, #tpu.memory_space<hbm>>) target_semaphore(%run_scoped3A : memref<!tpu.dma_semaphore, #tpu.memory_space<semaphore_mem>>)
        %dma_wait3A_25 = arith.constant 0 : i32
        %dma_wait3A_26 = tpu.memref_slice %arg6[%multiple_of3A, %dma_wait3A_25] : memref<131072x16xf32, #tpu.memory_space<hbm>> -> memref<512x16xf32, #tpu.memory_space<hbm>>
        %dma_wait3A_27 = arith.constant 0 : i32
        %dma_wait3A_28 = tpu.memref_slice %arg6[%multiple_of3A, %dma_wait3A_27] : memref<131072x16xf32, #tpu.memory_space<hbm>> -> memref<512x16xf32, #tpu.memory_space<hbm>>
        tpu.wait_dma2 semaphore(%run_scoped3A : memref<!tpu.dma_semaphore, #tpu.memory_space<semaphore_mem>>) src(%arg9 : memref<512x16xf32, #tpu.memory_space<vmem>>) dst(%dma_wait3A_28 : memref<512x16xf32, #tpu.memory_space<hbm>>)
        tpu.yield
      }) : () -> ()
    }
    %scan3A_4 = arith.constant 8 : i32
    return
  }
}

module attributes {stable_mosaic.version = 14 : i64} {
  func.func @_p2_body(%arg0: i32, %arg1: i32, %arg2: memref<1x512x16xf32, #tpu.memory_space<vmem>>, %arg3: memref<1x2048x16xf32, #tpu.memory_space<vmem>>, %arg4: memref<1x3x2048xf32, #tpu.memory_space<vmem>>, %arg5: memref<1x512x16xi32, #tpu.memory_space<vmem>>) attributes {dimension_semantics = [#tpu.dimension_semantics<arbitrary>, #tpu.dimension_semantics<arbitrary>], iteration_bounds = array<i64: 4, 4>, scalar_prefetch = 0 : i64, scratch_operands = 0 : i64, tpu.core_type = #tpu.core_type<tc>, window_params = [{transform_indices = @transform_0, window_bounds = array<i64: 1, 512, 16>}, {transform_indices = @transform_1, window_bounds = array<i64: 1, 2048, 16>}, {transform_indices = @transform_2, window_bounds = array<i64: 1, 3, 2048>}, {transform_indices = @transform_3, window_bounds = array<i64: 1, 512, 16>}]} {
    %get3A = arith.constant 0 : index
    %get3A_0 = arith.constant 0 : index
    %get3A_1 = arith.constant 0 : index
    %get3A_2 = vector.load %arg2[%get3A, %get3A_0, %get3A_1] : memref<1x512x16xf32, #tpu.memory_space<vmem>>, vector<1x512x16xf32>
    %get3A_3 = vector.shape_cast %get3A_2 : vector<1x512x16xf32> to vector<512x16xf32>
    %get3A_4 = arith.constant 0 : index
    %get3A_5 = arith.constant 0 : index
    %get3A_6 = arith.constant 0 : index
    %get3A_7 = vector.load %arg3[%get3A_4, %get3A_5, %get3A_6] : memref<1x2048x16xf32, #tpu.memory_space<vmem>>, vector<1x2048x16xf32>
    %get3A_8 = vector.shape_cast %get3A_7 : vector<1x2048x16xf32> to vector<2048x16xf32>
    %convert_element_type3A = arith.truncf %get3A_3 : vector<512x16xf32> to vector<512x16xbf16>
    %convert_element_type3A_9 = arith.truncf %get3A_8 : vector<2048x16xf32> to vector<2048x16xbf16>
    %dot_general3A = arith.constant dense<0.000000e+00> : vector<512x2048xf32>
    %dot_general3A_10 = tpu.matmul %convert_element_type3A, %convert_element_type3A_9, %dot_general3A {dimension_numbers = #tpu.dot_dimension_numbers<[1], [1], [0], [0], [0, 0, 1, 0], [], []>, transpose_lhs_hint = false} : vector<512x16xbf16>, vector<2048x16xbf16>, vector<512x2048xf32> -> vector<512x2048xf32>
    %mul3A = arith.mulf %get3A_3, %get3A_3 : vector<512x16xf32>
    %reduce_sum3A = arith.constant dense<0.000000e+00> : vector<512xf32>
    %reduce_sum3A_11 = vector.multi_reduction <add>, %mul3A, %reduce_sum3A [1] : vector<512x16xf32> to vector<512xf32>
    %broadcast_in_dim3A = vector.shape_cast %reduce_sum3A_11 : vector<512xf32> to vector<512x1xf32>
    %get3A_12 = arith.constant 0 : index
    %get3A_13 = arith.constant 0 : index
    %get3A_14 = arith.constant 0 : index
    %get3A_15 = vector.load %arg4[%get3A_12, %get3A_13, %get3A_14] : memref<1x3x2048xf32, #tpu.memory_space<vmem>>, vector<1x3x2048xf32>
    %get3A_16 = vector.shape_cast %get3A_15 : vector<1x3x2048xf32> to vector<3x2048xf32>
    %get3A_17 = arith.constant 0 : index
    %get3A_18 = arith.constant 0 : index
    %get3A_19 = arith.constant 0 : index
    %get3A_20 = vector.load %arg4[%get3A_17, %get3A_18, %get3A_19] : memref<1x3x2048xf32, #tpu.memory_space<vmem>>, vector<1x3x2048xf32>
    %get3A_21 = vector.shape_cast %get3A_20 : vector<1x3x2048xf32> to vector<3x2048xf32>
    %mul3A_22 = arith.mulf %get3A_16, %get3A_21 : vector<3x2048xf32>
    %reduce_sum3A_23 = arith.constant dense<0.000000e+00> : vector<2048xf32>
    %reduce_sum3A_24 = vector.multi_reduction <add>, %mul3A_22, %reduce_sum3A_23 [0] : vector<3x2048xf32> to vector<2048xf32>
    %broadcast_in_dim3A_25 = vector.shape_cast %reduce_sum3A_24 : vector<2048xf32> to vector<1x2048xf32>
    %mul3A_26 = arith.constant 2.000000e+00 : f32
    %mul3A_27 = vector.broadcast %mul3A_26 : f32 to vector<512x2048xf32>
    %mul3A_28 = arith.mulf %mul3A_27, %dot_general3A_10 : vector<512x2048xf32>
    %sub3A = vector.broadcast %broadcast_in_dim3A : vector<512x1xf32> to vector<512x2048xf32>
    %sub3A_29 = arith.subf %mul3A_28, %sub3A : vector<512x2048xf32>
    %sub3A_30 = vector.broadcast %broadcast_in_dim3A_25 : vector<1x2048xf32> to vector<512x2048xf32>
    %sub3A_31 = arith.subf %sub3A_29, %sub3A_30 : vector<512x2048xf32>
    %iota3A = tpu.iota {dimensions = array<i32: 1>} : vector<512x2048xi32>
    %iota3A_32 = tpu.iota {dimensions = array<i32: 1>} : vector<512x16xi32>
    %broadcast_in_dim3A_33 = arith.constant 0 : i32
    %broadcast_in_dim3A_34 = vector.broadcast %broadcast_in_dim3A_33 : i32 to vector<512x16xi32>
    %argmax3A = tpu.reduce_index %sub3A_31 {axis = 1 : i32, kind = #tpu.reduction_kind<arg_max>} : vector<512x2048xf32> -> vector<512xi32>
    %broadcast_in_dim3A_35 = vector.shape_cast %argmax3A : vector<512xi32> to vector<512x1xi32>
    %eq3A = arith.constant 0 : i32
    %eq3A_36 = vector.broadcast %eq3A : i32 to vector<512x16xi32>
    %eq3A_37 = arith.cmpi eq, %iota3A_32, %eq3A_36 : vector<512x16xi32>
    %broadcast_in_dim3A_38 = vector.shape_cast %broadcast_in_dim3A_35 : vector<512x1xi32> to vector<512x1xi32>
    %broadcast_in_dim3A_39 = vector.broadcast %broadcast_in_dim3A_38 : vector<512x1xi32> to vector<512x16xi32>
    %select_n3A = arith.select %eq3A_37, %broadcast_in_dim3A_39, %broadcast_in_dim3A_34 : vector<512x16xi1>, vector<512x16xi32>
    %eq3A_40 = vector.broadcast %broadcast_in_dim3A_35 : vector<512x1xi32> to vector<512x2048xi32>
    %eq3A_41 = arith.cmpi eq, %iota3A, %eq3A_40 : vector<512x2048xi32>
    %jit3A = arith.constant 0xFF800000 : f32
    %broadcast_in_dim3A_42 = vector.broadcast %jit3A : f32 to vector<512x2048xf32>
    %select_n3A_43 = arith.select %eq3A_41, %broadcast_in_dim3A_42, %sub3A_31 : vector<512x2048xi1>, vector<512x2048xf32>
    %argmax3A_44 = tpu.reduce_index %select_n3A_43 {axis = 1 : i32, kind = #tpu.reduction_kind<arg_max>} : vector<512x2048xf32> -> vector<512xi32>
    %broadcast_in_dim3A_45 = vector.shape_cast %argmax3A_44 : vector<512xi32> to vector<512x1xi32>
    %eq3A_46 = arith.constant 1 : i32
    %eq3A_47 = vector.broadcast %eq3A_46 : i32 to vector<512x16xi32>
    %eq3A_48 = arith.cmpi eq, %iota3A_32, %eq3A_47 : vector<512x16xi32>
    %broadcast_in_dim3A_49 = vector.shape_cast %broadcast_in_dim3A_45 : vector<512x1xi32> to vector<512x1xi32>
    %broadcast_in_dim3A_50 = vector.broadcast %broadcast_in_dim3A_49 : vector<512x1xi32> to vector<512x16xi32>
    %select_n3A_51 = arith.select %eq3A_48, %broadcast_in_dim3A_50, %select_n3A : vector<512x16xi1>, vector<512x16xi32>
    %eq3A_52 = vector.broadcast %broadcast_in_dim3A_45 : vector<512x1xi32> to vector<512x2048xi32>
    %eq3A_53 = arith.cmpi eq, %iota3A, %eq3A_52 : vector<512x2048xi32>
    %jit3A_54 = arith.constant 0xFF800000 : f32
    %broadcast_in_dim3A_55 = vector.broadcast %jit3A_54 : f32 to vector<512x2048xf32>
    %select_n3A_56 = arith.select %eq3A_53, %broadcast_in_dim3A_55, %select_n3A_43 : vector<512x2048xi1>, vector<512x2048xf32>
    %argmax3A_57 = tpu.reduce_index %select_n3A_56 {axis = 1 : i32, kind = #tpu.reduction_kind<arg_max>} : vector<512x2048xf32> -> vector<512xi32>
    %broadcast_in_dim3A_58 = vector.shape_cast %argmax3A_57 : vector<512xi32> to vector<512x1xi32>
    %eq3A_59 = arith.constant 2 : i32
    %eq3A_60 = vector.broadcast %eq3A_59 : i32 to vector<512x16xi32>
    %eq3A_61 = arith.cmpi eq, %iota3A_32, %eq3A_60 : vector<512x16xi32>
    %broadcast_in_dim3A_62 = vector.shape_cast %broadcast_in_dim3A_58 : vector<512x1xi32> to vector<512x1xi32>
    %broadcast_in_dim3A_63 = vector.broadcast %broadcast_in_dim3A_62 : vector<512x1xi32> to vector<512x16xi32>
    %select_n3A_64 = arith.select %eq3A_61, %broadcast_in_dim3A_63, %select_n3A_51 : vector<512x16xi1>, vector<512x16xi32>
    %eq3A_65 = vector.broadcast %broadcast_in_dim3A_58 : vector<512x1xi32> to vector<512x2048xi32>
    %eq3A_66 = arith.cmpi eq, %iota3A, %eq3A_65 : vector<512x2048xi32>
    %jit3A_67 = arith.constant 0xFF800000 : f32
    %broadcast_in_dim3A_68 = vector.broadcast %jit3A_67 : f32 to vector<512x2048xf32>
    %select_n3A_69 = arith.select %eq3A_66, %broadcast_in_dim3A_68, %select_n3A_56 : vector<512x2048xi1>, vector<512x2048xf32>
    %argmax3A_70 = tpu.reduce_index %select_n3A_69 {axis = 1 : i32, kind = #tpu.reduction_kind<arg_max>} : vector<512x2048xf32> -> vector<512xi32>
    %broadcast_in_dim3A_71 = vector.shape_cast %argmax3A_70 : vector<512xi32> to vector<512x1xi32>
    %eq3A_72 = arith.constant 3 : i32
    %eq3A_73 = vector.broadcast %eq3A_72 : i32 to vector<512x16xi32>
    %eq3A_74 = arith.cmpi eq, %iota3A_32, %eq3A_73 : vector<512x16xi32>
    %broadcast_in_dim3A_75 = vector.shape_cast %broadcast_in_dim3A_71 : vector<512x1xi32> to vector<512x1xi32>
    %broadcast_in_dim3A_76 = vector.broadcast %broadcast_in_dim3A_75 : vector<512x1xi32> to vector<512x16xi32>
    %select_n3A_77 = arith.select %eq3A_74, %broadcast_in_dim3A_76, %select_n3A_64 : vector<512x16xi1>, vector<512x16xi32>
    %eq3A_78 = vector.broadcast %broadcast_in_dim3A_71 : vector<512x1xi32> to vector<512x2048xi32>
    %eq3A_79 = arith.cmpi eq, %iota3A, %eq3A_78 : vector<512x2048xi32>
    %jit3A_80 = arith.constant 0xFF800000 : f32
    %broadcast_in_dim3A_81 = vector.broadcast %jit3A_80 : f32 to vector<512x2048xf32>
    %select_n3A_82 = arith.select %eq3A_79, %broadcast_in_dim3A_81, %select_n3A_69 : vector<512x2048xi1>, vector<512x2048xf32>
    %argmax3A_83 = tpu.reduce_index %select_n3A_82 {axis = 1 : i32, kind = #tpu.reduction_kind<arg_max>} : vector<512x2048xf32> -> vector<512xi32>
    %broadcast_in_dim3A_84 = vector.shape_cast %argmax3A_83 : vector<512xi32> to vector<512x1xi32>
    %eq3A_85 = arith.constant 4 : i32
    %eq3A_86 = vector.broadcast %eq3A_85 : i32 to vector<512x16xi32>
    %eq3A_87 = arith.cmpi eq, %iota3A_32, %eq3A_86 : vector<512x16xi32>
    %broadcast_in_dim3A_88 = vector.shape_cast %broadcast_in_dim3A_84 : vector<512x1xi32> to vector<512x1xi32>
    %broadcast_in_dim3A_89 = vector.broadcast %broadcast_in_dim3A_88 : vector<512x1xi32> to vector<512x16xi32>
    %select_n3A_90 = arith.select %eq3A_87, %broadcast_in_dim3A_89, %select_n3A_77 : vector<512x16xi1>, vector<512x16xi32>
    %eq3A_91 = vector.broadcast %broadcast_in_dim3A_84 : vector<512x1xi32> to vector<512x2048xi32>
    %eq3A_92 = arith.cmpi eq, %iota3A, %eq3A_91 : vector<512x2048xi32>
    %jit3A_93 = arith.constant 0xFF800000 : f32
    %broadcast_in_dim3A_94 = vector.broadcast %jit3A_93 : f32 to vector<512x2048xf32>
    %select_n3A_95 = arith.select %eq3A_92, %broadcast_in_dim3A_94, %select_n3A_82 : vector<512x2048xi1>, vector<512x2048xf32>
    %argmax3A_96 = tpu.reduce_index %select_n3A_95 {axis = 1 : i32, kind = #tpu.reduction_kind<arg_max>} : vector<512x2048xf32> -> vector<512xi32>
    %broadcast_in_dim3A_97 = vector.shape_cast %argmax3A_96 : vector<512xi32> to vector<512x1xi32>
    %eq3A_98 = arith.constant 5 : i32
    %eq3A_99 = vector.broadcast %eq3A_98 : i32 to vector<512x16xi32>
    %eq3A_100 = arith.cmpi eq, %iota3A_32, %eq3A_99 : vector<512x16xi32>
    %broadcast_in_dim3A_101 = vector.shape_cast %broadcast_in_dim3A_97 : vector<512x1xi32> to vector<512x1xi32>
    %broadcast_in_dim3A_102 = vector.broadcast %broadcast_in_dim3A_101 : vector<512x1xi32> to vector<512x16xi32>
    %select_n3A_103 = arith.select %eq3A_100, %broadcast_in_dim3A_102, %select_n3A_90 : vector<512x16xi1>, vector<512x16xi32>
    %eq3A_104 = vector.broadcast %broadcast_in_dim3A_97 : vector<512x1xi32> to vector<512x2048xi32>
    %eq3A_105 = arith.cmpi eq, %iota3A, %eq3A_104 : vector<512x2048xi32>
    %jit3A_106 = arith.constant 0xFF800000 : f32
    %broadcast_in_dim3A_107 = vector.broadcast %jit3A_106 : f32 to vector<512x2048xf32>
    %select_n3A_108 = arith.select %eq3A_105, %broadcast_in_dim3A_107, %select_n3A_95 : vector<512x2048xi1>, vector<512x2048xf32>
    %argmax3A_109 = tpu.reduce_index %select_n3A_108 {axis = 1 : i32, kind = #tpu.reduction_kind<arg_max>} : vector<512x2048xf32> -> vector<512xi32>
    %broadcast_in_dim3A_110 = vector.shape_cast %argmax3A_109 : vector<512xi32> to vector<512x1xi32>
    %eq3A_111 = arith.constant 6 : i32
    %eq3A_112 = vector.broadcast %eq3A_111 : i32 to vector<512x16xi32>
    %eq3A_113 = arith.cmpi eq, %iota3A_32, %eq3A_112 : vector<512x16xi32>
    %broadcast_in_dim3A_114 = vector.shape_cast %broadcast_in_dim3A_110 : vector<512x1xi32> to vector<512x1xi32>
    %broadcast_in_dim3A_115 = vector.broadcast %broadcast_in_dim3A_114 : vector<512x1xi32> to vector<512x16xi32>
    %select_n3A_116 = arith.select %eq3A_113, %broadcast_in_dim3A_115, %select_n3A_103 : vector<512x16xi1>, vector<512x16xi32>
    %eq3A_117 = vector.broadcast %broadcast_in_dim3A_110 : vector<512x1xi32> to vector<512x2048xi32>
    %eq3A_118 = arith.cmpi eq, %iota3A, %eq3A_117 : vector<512x2048xi32>
    %jit3A_119 = arith.constant 0xFF800000 : f32
    %broadcast_in_dim3A_120 = vector.broadcast %jit3A_119 : f32 to vector<512x2048xf32>
    %select_n3A_121 = arith.select %eq3A_118, %broadcast_in_dim3A_120, %select_n3A_108 : vector<512x2048xi1>, vector<512x2048xf32>
    %argmax3A_122 = tpu.reduce_index %select_n3A_121 {axis = 1 : i32, kind = #tpu.reduction_kind<arg_max>} : vector<512x2048xf32> -> vector<512xi32>
    %broadcast_in_dim3A_123 = vector.shape_cast %argmax3A_122 : vector<512xi32> to vector<512x1xi32>
    %eq3A_124 = arith.constant 7 : i32
    %eq3A_125 = vector.broadcast %eq3A_124 : i32 to vector<512x16xi32>
    %eq3A_126 = arith.cmpi eq, %iota3A_32, %eq3A_125 : vector<512x16xi32>
    %broadcast_in_dim3A_127 = vector.shape_cast %broadcast_in_dim3A_123 : vector<512x1xi32> to vector<512x1xi32>
    %broadcast_in_dim3A_128 = vector.broadcast %broadcast_in_dim3A_127 : vector<512x1xi32> to vector<512x16xi32>
    %select_n3A_129 = arith.select %eq3A_126, %broadcast_in_dim3A_128, %select_n3A_116 : vector<512x16xi1>, vector<512x16xi32>
    %eq3A_130 = vector.broadcast %broadcast_in_dim3A_123 : vector<512x1xi32> to vector<512x2048xi32>
    %eq3A_131 = arith.cmpi eq, %iota3A, %eq3A_130 : vector<512x2048xi32>
    %jit3A_132 = arith.constant 0xFF800000 : f32
    %broadcast_in_dim3A_133 = vector.broadcast %jit3A_132 : f32 to vector<512x2048xf32>
    %select_n3A_134 = arith.select %eq3A_131, %broadcast_in_dim3A_133, %select_n3A_121 : vector<512x2048xi1>, vector<512x2048xf32>
    %argmax3A_135 = tpu.reduce_index %select_n3A_134 {axis = 1 : i32, kind = #tpu.reduction_kind<arg_max>} : vector<512x2048xf32> -> vector<512xi32>
    %broadcast_in_dim3A_136 = vector.shape_cast %argmax3A_135 : vector<512xi32> to vector<512x1xi32>
    %eq3A_137 = arith.constant 8 : i32
    %eq3A_138 = vector.broadcast %eq3A_137 : i32 to vector<512x16xi32>
    %eq3A_139 = arith.cmpi eq, %iota3A_32, %eq3A_138 : vector<512x16xi32>
    %broadcast_in_dim3A_140 = vector.shape_cast %broadcast_in_dim3A_136 : vector<512x1xi32> to vector<512x1xi32>
    %broadcast_in_dim3A_141 = vector.broadcast %broadcast_in_dim3A_140 : vector<512x1xi32> to vector<512x16xi32>
    %select_n3A_142 = arith.select %eq3A_139, %broadcast_in_dim3A_141, %select_n3A_129 : vector<512x16xi1>, vector<512x16xi32>
    %eq3A_143 = vector.broadcast %broadcast_in_dim3A_136 : vector<512x1xi32> to vector<512x2048xi32>
    %eq3A_144 = arith.cmpi eq, %iota3A, %eq3A_143 : vector<512x2048xi32>
    %jit3A_145 = arith.constant 0xFF800000 : f32
    %broadcast_in_dim3A_146 = vector.broadcast %jit3A_145 : f32 to vector<512x2048xf32>
    %select_n3A_147 = arith.select %eq3A_144, %broadcast_in_dim3A_146, %select_n3A_134 : vector<512x2048xi1>, vector<512x2048xf32>
    %argmax3A_148 = tpu.reduce_index %select_n3A_147 {axis = 1 : i32, kind = #tpu.reduction_kind<arg_max>} : vector<512x2048xf32> -> vector<512xi32>
    %broadcast_in_dim3A_149 = vector.shape_cast %argmax3A_148 : vector<512xi32> to vector<512x1xi32>
    %eq3A_150 = arith.constant 9 : i32
    %eq3A_151 = vector.broadcast %eq3A_150 : i32 to vector<512x16xi32>
    %eq3A_152 = arith.cmpi eq, %iota3A_32, %eq3A_151 : vector<512x16xi32>
    %broadcast_in_dim3A_153 = vector.shape_cast %broadcast_in_dim3A_149 : vector<512x1xi32> to vector<512x1xi32>
    %broadcast_in_dim3A_154 = vector.broadcast %broadcast_in_dim3A_153 : vector<512x1xi32> to vector<512x16xi32>
    %select_n3A_155 = arith.select %eq3A_152, %broadcast_in_dim3A_154, %select_n3A_142 : vector<512x16xi1>, vector<512x16xi32>
    %eq3A_156 = vector.broadcast %broadcast_in_dim3A_149 : vector<512x1xi32> to vector<512x2048xi32>
    %eq3A_157 = arith.cmpi eq, %iota3A, %eq3A_156 : vector<512x2048xi32>
    %jit3A_158 = arith.constant 0xFF800000 : f32
    %broadcast_in_dim3A_159 = vector.broadcast %jit3A_158 : f32 to vector<512x2048xf32>
    %select_n3A_160 = arith.select %eq3A_157, %broadcast_in_dim3A_159, %select_n3A_147 : vector<512x2048xi1>, vector<512x2048xf32>
    %argmax3A_161 = tpu.reduce_index %select_n3A_160 {axis = 1 : i32, kind = #tpu.reduction_kind<arg_max>} : vector<512x2048xf32> -> vector<512xi32>
    %broadcast_in_dim3A_162 = vector.shape_cast %argmax3A_161 : vector<512xi32> to vector<512x1xi32>
    %eq3A_163 = arith.constant 10 : i32
    %eq3A_164 = vector.broadcast %eq3A_163 : i32 to vector<512x16xi32>
    %eq3A_165 = arith.cmpi eq, %iota3A_32, %eq3A_164 : vector<512x16xi32>
    %broadcast_in_dim3A_166 = vector.shape_cast %broadcast_in_dim3A_162 : vector<512x1xi32> to vector<512x1xi32>
    %broadcast_in_dim3A_167 = vector.broadcast %broadcast_in_dim3A_166 : vector<512x1xi32> to vector<512x16xi32>
    %select_n3A_168 = arith.select %eq3A_165, %broadcast_in_dim3A_167, %select_n3A_155 : vector<512x16xi1>, vector<512x16xi32>
    %eq3A_169 = vector.broadcast %broadcast_in_dim3A_162 : vector<512x1xi32> to vector<512x2048xi32>
    %eq3A_170 = arith.cmpi eq, %iota3A, %eq3A_169 : vector<512x2048xi32>
    %jit3A_171 = arith.constant 0xFF800000 : f32
    %broadcast_in_dim3A_172 = vector.broadcast %jit3A_171 : f32 to vector<512x2048xf32>
    %select_n3A_173 = arith.select %eq3A_170, %broadcast_in_dim3A_172, %select_n3A_160 : vector<512x2048xi1>, vector<512x2048xf32>
    %argmax3A_174 = tpu.reduce_index %select_n3A_173 {axis = 1 : i32, kind = #tpu.reduction_kind<arg_max>} : vector<512x2048xf32> -> vector<512xi32>
    %broadcast_in_dim3A_175 = vector.shape_cast %argmax3A_174 : vector<512xi32> to vector<512x1xi32>
    %eq3A_176 = arith.constant 11 : i32
    %eq3A_177 = vector.broadcast %eq3A_176 : i32 to vector<512x16xi32>
    %eq3A_178 = arith.cmpi eq, %iota3A_32, %eq3A_177 : vector<512x16xi32>
    %broadcast_in_dim3A_179 = vector.shape_cast %broadcast_in_dim3A_175 : vector<512x1xi32> to vector<512x1xi32>
    %broadcast_in_dim3A_180 = vector.broadcast %broadcast_in_dim3A_179 : vector<512x1xi32> to vector<512x16xi32>
    %select_n3A_181 = arith.select %eq3A_178, %broadcast_in_dim3A_180, %select_n3A_168 : vector<512x16xi1>, vector<512x16xi32>
    %eq3A_182 = vector.broadcast %broadcast_in_dim3A_175 : vector<512x1xi32> to vector<512x2048xi32>
    %eq3A_183 = arith.cmpi eq, %iota3A, %eq3A_182 : vector<512x2048xi32>
    %jit3A_184 = arith.constant 0xFF800000 : f32
    %broadcast_in_dim3A_185 = vector.broadcast %jit3A_184 : f32 to vector<512x2048xf32>
    %select_n3A_186 = arith.select %eq3A_183, %broadcast_in_dim3A_185, %select_n3A_173 : vector<512x2048xi1>, vector<512x2048xf32>
    %argmax3A_187 = tpu.reduce_index %select_n3A_186 {axis = 1 : i32, kind = #tpu.reduction_kind<arg_max>} : vector<512x2048xf32> -> vector<512xi32>
    %broadcast_in_dim3A_188 = vector.shape_cast %argmax3A_187 : vector<512xi32> to vector<512x1xi32>
    %eq3A_189 = arith.constant 12 : i32
    %eq3A_190 = vector.broadcast %eq3A_189 : i32 to vector<512x16xi32>
    %eq3A_191 = arith.cmpi eq, %iota3A_32, %eq3A_190 : vector<512x16xi32>
    %broadcast_in_dim3A_192 = vector.shape_cast %broadcast_in_dim3A_188 : vector<512x1xi32> to vector<512x1xi32>
    %broadcast_in_dim3A_193 = vector.broadcast %broadcast_in_dim3A_192 : vector<512x1xi32> to vector<512x16xi32>
    %select_n3A_194 = arith.select %eq3A_191, %broadcast_in_dim3A_193, %select_n3A_181 : vector<512x16xi1>, vector<512x16xi32>
    %eq3A_195 = vector.broadcast %broadcast_in_dim3A_188 : vector<512x1xi32> to vector<512x2048xi32>
    %eq3A_196 = arith.cmpi eq, %iota3A, %eq3A_195 : vector<512x2048xi32>
    %jit3A_197 = arith.constant 0xFF800000 : f32
    %broadcast_in_dim3A_198 = vector.broadcast %jit3A_197 : f32 to vector<512x2048xf32>
    %select_n3A_199 = arith.select %eq3A_196, %broadcast_in_dim3A_198, %select_n3A_186 : vector<512x2048xi1>, vector<512x2048xf32>
    %argmax3A_200 = tpu.reduce_index %select_n3A_199 {axis = 1 : i32, kind = #tpu.reduction_kind<arg_max>} : vector<512x2048xf32> -> vector<512xi32>
    %broadcast_in_dim3A_201 = vector.shape_cast %argmax3A_200 : vector<512xi32> to vector<512x1xi32>
    %eq3A_202 = arith.constant 13 : i32
    %eq3A_203 = vector.broadcast %eq3A_202 : i32 to vector<512x16xi32>
    %eq3A_204 = arith.cmpi eq, %iota3A_32, %eq3A_203 : vector<512x16xi32>
    %broadcast_in_dim3A_205 = vector.shape_cast %broadcast_in_dim3A_201 : vector<512x1xi32> to vector<512x1xi32>
    %broadcast_in_dim3A_206 = vector.broadcast %broadcast_in_dim3A_205 : vector<512x1xi32> to vector<512x16xi32>
    %select_n3A_207 = arith.select %eq3A_204, %broadcast_in_dim3A_206, %select_n3A_194 : vector<512x16xi1>, vector<512x16xi32>
    %eq3A_208 = vector.broadcast %broadcast_in_dim3A_201 : vector<512x1xi32> to vector<512x2048xi32>
    %eq3A_209 = arith.cmpi eq, %iota3A, %eq3A_208 : vector<512x2048xi32>
    %jit3A_210 = arith.constant 0xFF800000 : f32
    %broadcast_in_dim3A_211 = vector.broadcast %jit3A_210 : f32 to vector<512x2048xf32>
    %select_n3A_212 = arith.select %eq3A_209, %broadcast_in_dim3A_211, %select_n3A_199 : vector<512x2048xi1>, vector<512x2048xf32>
    %argmax3A_213 = tpu.reduce_index %select_n3A_212 {axis = 1 : i32, kind = #tpu.reduction_kind<arg_max>} : vector<512x2048xf32> -> vector<512xi32>
    %broadcast_in_dim3A_214 = vector.shape_cast %argmax3A_213 : vector<512xi32> to vector<512x1xi32>
    %eq3A_215 = arith.constant 14 : i32
    %eq3A_216 = vector.broadcast %eq3A_215 : i32 to vector<512x16xi32>
    %eq3A_217 = arith.cmpi eq, %iota3A_32, %eq3A_216 : vector<512x16xi32>
    %broadcast_in_dim3A_218 = vector.shape_cast %broadcast_in_dim3A_214 : vector<512x1xi32> to vector<512x1xi32>
    %broadcast_in_dim3A_219 = vector.broadcast %broadcast_in_dim3A_218 : vector<512x1xi32> to vector<512x16xi32>
    %select_n3A_220 = arith.select %eq3A_217, %broadcast_in_dim3A_219, %select_n3A_207 : vector<512x16xi1>, vector<512x16xi32>
    %eq3A_221 = vector.broadcast %broadcast_in_dim3A_214 : vector<512x1xi32> to vector<512x2048xi32>
    %eq3A_222 = arith.cmpi eq, %iota3A, %eq3A_221 : vector<512x2048xi32>
    %jit3A_223 = arith.constant 0xFF800000 : f32
    %broadcast_in_dim3A_224 = vector.broadcast %jit3A_223 : f32 to vector<512x2048xf32>
    %select_n3A_225 = arith.select %eq3A_222, %broadcast_in_dim3A_224, %select_n3A_212 : vector<512x2048xi1>, vector<512x2048xf32>
    %argmax3A_226 = tpu.reduce_index %select_n3A_225 {axis = 1 : i32, kind = #tpu.reduction_kind<arg_max>} : vector<512x2048xf32> -> vector<512xi32>
    %broadcast_in_dim3A_227 = vector.shape_cast %argmax3A_226 : vector<512xi32> to vector<512x1xi32>
    %eq3A_228 = arith.constant 15 : i32
    %eq3A_229 = vector.broadcast %eq3A_228 : i32 to vector<512x16xi32>
    %eq3A_230 = arith.cmpi eq, %iota3A_32, %eq3A_229 : vector<512x16xi32>
    %broadcast_in_dim3A_231 = vector.shape_cast %broadcast_in_dim3A_227 : vector<512x1xi32> to vector<512x1xi32>
    %broadcast_in_dim3A_232 = vector.broadcast %broadcast_in_dim3A_231 : vector<512x1xi32> to vector<512x16xi32>
    %select_n3A_233 = arith.select %eq3A_230, %broadcast_in_dim3A_232, %select_n3A_220 : vector<512x16xi1>, vector<512x16xi32>
    %mul3A_234 = arith.constant 2048 : i32
    %mul3A_235 = arith.muli %arg0, %mul3A_234 : i32
    %add3A = vector.broadcast %mul3A_235 : i32 to vector<512x16xi32>
    %add3A_236 = arith.addi %select_n3A_233, %add3A : vector<512x16xi32>
    %swap3A = arith.constant 0 : index
    %swap3A_237 = arith.constant 0 : index
    %swap3A_238 = arith.constant 0 : index
    %swap3A_239 = vector.load %arg5[%swap3A, %swap3A_237, %swap3A_238] : memref<1x512x16xi32, #tpu.memory_space<vmem>>, vector<1x512x16xi32>
    %swap3A_240 = vector.shape_cast %swap3A_239 : vector<1x512x16xi32> to vector<512x16xi32>
    %swap3A_241 = vector.shape_cast %add3A_236 : vector<512x16xi32> to vector<1x512x16xi32>
    tpu.vector_store %arg5[%swap3A, %swap3A_237, %swap3A_238], %swap3A_241 {strides = array<i32>} : memref<1x512x16xi32, #tpu.memory_space<vmem>>, vector<1x512x16xi32>,
    return
  }
  func.func @transform_0(%arg0: i32, %arg1: i32) -> (i32, i32, i32) {
    %c0_i32 = arith.constant 0 : i32
    %c0_i32_0 = arith.constant 0 : i32
    return %arg0, %arg1, %c0_i32 : i32, i32, i32
  }
  func.func @transform_1(%arg0: i32, %arg1: i32) -> (i32, i32, i32) {
    %c0_i32 = arith.constant 0 : i32
    %c0_i32_0 = arith.constant 0 : i32
    %c0_i32_1 = arith.constant 0 : i32
    return %arg0, %c0_i32, %c0_i32_0 : i32, i32, i32
  }
  func.func @transform_2(%arg0: i32, %arg1: i32) -> (i32, i32, i32) {
    %c0_i32 = arith.constant 0 : i32
    %c0_i32_0 = arith.constant 0 : i32
    %c0_i32_1 = arith.constant 0 : i32
    return %arg0, %c0_i32, %c0_i32_0 : i32, i32, i32
  }
  func.func @transform_3(%arg0: i32, %arg1: i32) -> (i32, i32, i32) {
    %c0_i32 = arith.constant 0 : i32
    %c0_i32_0 = arith.constant 0 : i32
    return %arg0, %arg1, %c0_i32 : i32, i32, i32
  }
}

module attributes {stable_mosaic.version = 14 : i64} {
  func.func @_p1_body(%arg0: i32, %arg1: memref<1x256x2048xf32, #tpu.memory_space<vmem>>, %arg2: memref<1x256x2048xf32, #tpu.memory_space<vmem>>, %arg3: memref<1x3x2048xf32, #tpu.memory_space<vmem>>, %arg4: memref<1x3x2048xf32, #tpu.memory_space<vmem>>, %arg5: memref<128x256xf32, #tpu.memory_space<vmem>>, %arg6: memref<1x128xf32, #tpu.memory_space<vmem>>, %arg7: memref<128x256xf32, #tpu.memory_space<vmem>>, %arg8: memref<1x128xf32, #tpu.memory_space<vmem>>, %arg9: memref<128x256xf32, #tpu.memory_space<vmem>>, %arg10: memref<1x128xf32, #tpu.memory_space<vmem>>, %arg11: memref<3x16xf32, #tpu.memory_space<vmem>>, %arg12: memref<1x2048x128xf32, #tpu.memory_space<vmem>>, %arg13: memref<1x2048x128xi32, #tpu.memory_space<vmem>>, %arg14: memref<1x2048x16xf32, #tpu.memory_space<vmem>>, %arg15: memref<1x2048x16xf32, #tpu.memory_space<vmem>>) attributes {dimension_semantics = [#tpu.dimension_semantics<arbitrary>], iteration_bounds = array<i64: 4>, scalar_prefetch = 0 : i64, scratch_operands = 0 : i64, tpu.core_type = #tpu.core_type<tc>, window_params = [{transform_indices = @transform_0, window_bounds = array<i64: 1, 256, 2048>}, {transform_indices = @transform_1, window_bounds = array<i64: 1, 256, 2048>}, {transform_indices = @transform_2, window_bounds = array<i64: 1, 3, 2048>}, {transform_indices = @transform_3, window_bounds = array<i64: 1, 3, 2048>}, {pipeline_mode = #tpu.pipeline_mode<synchronous>, transform_indices = @transform_4, window_bounds = array<i64: 128, 256>}, {pipeline_mode = #tpu.pipeline_mode<synchronous>, transform_indices = @transform_5, window_bounds = array<i64: 1, 128>}, {pipeline_mode = #tpu.pipeline_mode<synchronous>, transform_indices = @transform_6, window_bounds = array<i64: 128, 256>}, {pipeline_mode = #tpu.pipeline_mode<synchronous>, transform_indices = @transform_7, window_bounds = array<i64: 1, 128>}, {pipeline_mode = #tpu.pipeline_mode<synchronous>, transform_indices = @transform_8, window_bounds = array<i64: 128, 256>}, {pipeline_mode = #tpu.pipeline_mode<synchronous>, transform_indices = @transform_9, window_bounds = array<i64: 1, 128>}, {pipeline_mode = #tpu.pipeline_mode<synchronous>, transform_indices = @transform_10, window_bounds = array<i64: 3, 16>}, {transform_indices = @transform_11, window_bounds = array<i64: 1, 2048, 128>}, {transform_indices = @transform_12, window_bounds = array<i64: 1, 2048, 128>}, {transform_indices = @transform_13, window_bounds = array<i64: 1, 2048, 16>}, {transform_indices = @transform_14, window_bounds = array<i64: 1, 2048, 16>}]} {
    %get3A = arith.constant 0 : index
    %get3A_0 = arith.constant 0 : index
    %get3A_1 = arith.constant 0 : index
    %get3A_2 = vector.load %arg1[%get3A, %get3A_0, %get3A_1] : memref<1x256x2048xf32, #tpu.memory_space<vmem>>, vector<1x256x2048xf32>
    %get3A_3 = vector.shape_cast %get3A_2 : vector<1x256x2048xf32> to vector<256x2048xf32>
    %get3A_4 = arith.constant 0 : index
    %get3A_5 = arith.constant 0 : index
    %get3A_6 = arith.constant 0 : index
    %get3A_7 = vector.load %arg2[%get3A_4, %get3A_5, %get3A_6] : memref<1x256x2048xf32, #tpu.memory_space<vmem>>, vector<1x256x2048xf32>
    %get3A_8 = vector.shape_cast %get3A_7 : vector<1x256x2048xf32> to vector<256x2048xf32>
    %get3A_9 = arith.constant 0 : index
    %get3A_10 = arith.constant 0 : index
    %get3A_11 = vector.load %arg5[%get3A_9, %get3A_10] : memref<128x256xf32, #tpu.memory_space<vmem>>, vector<128x256xf32>
    %convert_element_type3A = arith.truncf %get3A_3 : vector<256x2048xf32> to vector<256x2048xbf16>
    %convert_element_type3A_12 = arith.truncf %get3A_11 : vector<128x256xf32> to vector<128x256xbf16>
    %dot_general3A = arith.constant dense<0.000000e+00> : vector<2048x128xf32>
    %dot_general3A_13 = tpu.matmul %convert_element_type3A, %convert_element_type3A_12, %dot_general3A {dimension_numbers = #tpu.dot_dimension_numbers<[0], [1], [1], [0], [0, 1, 1, 0], [], []>, transpose_lhs_hint = false} : vector<256x2048xbf16>, vector<128x256xbf16>, vector<2048x128xf32> -> vector<2048x128xf32>
    %get3A_14 = arith.constant 0 : index
    %get3A_15 = arith.constant 0 : index
    %get3A_16 = vector.load %arg6[%get3A_14, %get3A_15] : memref<1x128xf32, #tpu.memory_space<vmem>>, vector<1x128xf32>
    %add3A = vector.broadcast %get3A_16 : vector<1x128xf32> to vector<2048x128xf32>
    %add3A_17 = arith.addf %dot_general3A_13, %add3A : vector<2048x128xf32>
    %swap3A = arith.constant 0 : index
    %swap3A_18 = arith.constant 0 : index
    %swap3A_19 = arith.constant 0 : index
    %swap3A_20 = vector.load %arg12[%swap3A, %swap3A_18, %swap3A_19] : memref<1x2048x128xf32, #tpu.memory_space<vmem>>, vector<1x2048x128xf32>
    %swap3A_21 = vector.shape_cast %swap3A_20 : vector<1x2048x128xf32> to vector<2048x128xf32>
    %swap3A_22 = vector.shape_cast %add3A_17 : vector<2048x128xf32> to vector<1x2048x128xf32>
    tpu.vector_store %arg12[%swap3A, %swap3A_18, %swap3A_19], %swap3A_22 {strides = array<i32>} : memref<1x2048x128xf32, #tpu.memory_space<vmem>>, vector<1x2048x128xf32>,
    %get3A_23 = arith.constant 0 : index
    %get3A_24 = arith.constant 0 : index
    %get3A_25 = vector.load %arg7[%get3A_23, %get3A_24] : memref<128x256xf32, #tpu.memory_space<vmem>>, vector<128x256xf32>
    %convert_element_type3A_26 = arith.truncf %get3A_8 : vector<256x2048xf32> to vector<256x2048xbf16>
    %convert_element_type3A_27 = arith.truncf %get3A_25 : vector<128x256xf32> to vector<128x256xbf16>
    %dot_general3A_28 = arith.constant dense<0.000000e+00> : vector<2048x128xf32>
    %dot_general3A_29 = tpu.matmul %convert_element_type3A_26, %convert_element_type3A_27, %dot_general3A_28 {dimension_numbers = #tpu.dot_dimension_numbers<[0], [1], [1], [0], [0, 1, 1, 0], [], []>, transpose_lhs_hint = false} : vector<256x2048xbf16>, vector<128x256xbf16>, vector<2048x128xf32> -> vector<2048x128xf32>
    %get3A_30 = arith.constant 0 : index
    %get3A_31 = arith.constant 0 : index
    %get3A_32 = vector.load %arg8[%get3A_30, %get3A_31] : memref<1x128xf32, #tpu.memory_space<vmem>>, vector<1x128xf32>
    %add3A_33 = vector.broadcast %get3A_32 : vector<1x128xf32> to vector<2048x128xf32>
    %add3A_34 = arith.addf %dot_general3A_29, %add3A_33 : vector<2048x128xf32>
    %get3A_35 = arith.constant 0 : index
    %get3A_36 = arith.constant 0 : index
    %get3A_37 = vector.load %arg9[%get3A_35, %get3A_36] : memref<128x256xf32, #tpu.memory_space<vmem>>, vector<128x256xf32>
    %convert_element_type3A_38 = arith.truncf %get3A_8 : vector<256x2048xf32> to vector<256x2048xbf16>
    %convert_element_type3A_39 = arith.truncf %get3A_37 : vector<128x256xf32> to vector<128x256xbf16>
    %dot_general3A_40 = arith.constant dense<0.000000e+00> : vector<2048x128xf32>
    %dot_general3A_41 = tpu.matmul %convert_element_type3A_38, %convert_element_type3A_39, %dot_general3A_40 {dimension_numbers = #tpu.dot_dimension_numbers<[0], [1], [1], [0], [0, 1, 1, 0], [], []>, transpose_lhs_hint = false} : vector<256x2048xbf16>, vector<128x256xbf16>, vector<2048x128xf32> -> vector<2048x128xf32>
    %get3A_42 = arith.constant 0 : index
    %get3A_43 = arith.constant 0 : index
    %get3A_44 = vector.load %arg10[%get3A_42, %get3A_43] : memref<1x128xf32, #tpu.memory_space<vmem>>, vector<1x128xf32>
    %add3A_45 = vector.broadcast %get3A_44 : vector<1x128xf32> to vector<2048x128xf32>
    %add3A_46 = arith.addf %dot_general3A_41, %add3A_45 : vector<2048x128xf32>
    %convert_element_type3A_47 = arith.truncf %add3A_34 : vector<2048x128xf32> to vector<2048x128xbf16>
    %convert_element_type3A_48 = arith.extf %convert_element_type3A_47 : vector<2048x128xbf16> to vector<2048x128xf32>
    %bitcast_convert_type3A = tpu.bitcast %convert_element_type3A_48 : vector<2048x128xf32> -> vector<2048x128xi32>
    %convert_element_type3A_49 = arith.truncf %add3A_46 : vector<2048x128xf32> to vector<2048x128xbf16>
    %convert_element_type3A_50 = arith.extf %convert_element_type3A_49 : vector<2048x128xbf16> to vector<2048x128xf32>
    %bitcast_convert_type3A_51 = tpu.bitcast %convert_element_type3A_50 : vector<2048x128xf32> -> vector<2048x128xi32>
    %shift_right_logical3A = arith.constant 16 : i32
    %shift_right_logical3A_52 = vector.broadcast %shift_right_logical3A : i32 to vector<2048x128xi32>
    %shift_right_logical3A_53 = arith.shrui %bitcast_convert_type3A_51, %shift_right_logical3A_52 : vector<2048x128xi32>
    %or3A = arith.ori %bitcast_convert_type3A, %shift_right_logical3A_53 : vector<2048x128xi32>
    %swap3A_54 = arith.constant 0 : index
    %swap3A_55 = arith.constant 0 : index
    %swap3A_56 = arith.constant 0 : index
    %swap3A_57 = vector.load %arg13[%swap3A_54, %swap3A_55, %swap3A_56] : memref<1x2048x128xi32, #tpu.memory_space<vmem>>, vector<1x2048x128xi32>
    %swap3A_58 = vector.shape_cast %swap3A_57 : vector<1x2048x128xi32> to vector<2048x128xi32>
    %swap3A_59 = vector.shape_cast %or3A : vector<2048x128xi32> to vector<1x2048x128xi32>
    tpu.vector_store %arg13[%swap3A_54, %swap3A_55, %swap3A_56], %swap3A_59 {strides = array<i32>} : memref<1x2048x128xi32, #tpu.memory_space<vmem>>, vector<1x2048x128xi32>,
    %get3A_60 = arith.constant 0 : index
    %get3A_61 = arith.constant 0 : index
    %get3A_62 = arith.constant 0 : index
    %get3A_63 = vector.load %arg3[%get3A_60, %get3A_61, %get3A_62] : memref<1x3x2048xf32, #tpu.memory_space<vmem>>, vector<1x3x2048xf32>
    %get3A_64 = vector.shape_cast %get3A_63 : vector<1x3x2048xf32> to vector<3x2048xf32>
    %get3A_65 = arith.constant 0 : index
    %get3A_66 = arith.constant 0 : index
    %get3A_67 = vector.load %arg11[%get3A_65, %get3A_66] : memref<3x16xf32, #tpu.memory_space<vmem>>, vector<3x16xf32>
    %dot_general3A_68 = arith.constant dense<0.000000e+00> : vector<2048x16xf32>
    %dot_general3A_69 = tpu.matmul %get3A_64, %get3A_67, %dot_general3A_68 {dimension_numbers = #tpu.dot_dimension_numbers<[0], [0], [1], [1], [0, 1, 1, 1], [], []>, precision = #tpu.contract_precision<fp32>, transpose_lhs_hint = false} : vector<3x2048xf32>, vector<3x16xf32>, vector<2048x16xf32> -> vector<2048x16xf32>
    %swap3A_70 = arith.constant 0 : index
    %swap3A_71 = arith.constant 0 : index
    %swap3A_72 = arith.constant 0 : index
    %swap3A_73 = vector.load %arg14[%swap3A_70, %swap3A_71, %swap3A_72] : memref<1x2048x16xf32, #tpu.memory_space<vmem>>, vector<1x2048x16xf32>
    %swap3A_74 = vector.shape_cast %swap3A_73 : vector<1x2048x16xf32> to vector<2048x16xf32>
    %swap3A_75 = vector.shape_cast %dot_general3A_69 : vector<2048x16xf32> to vector<1x2048x16xf32>
    tpu.vector_store %arg14[%swap3A_70, %swap3A_71, %swap3A_72], %swap3A_75 {strides = array<i32>} : memref<1x2048x16xf32, #tpu.memory_space<vmem>>, vector<1x2048x16xf32>,
    %get3A_76 = arith.constant 0 : index
    %get3A_77 = arith.constant 0 : index
    %get3A_78 = arith.constant 0 : index
    %get3A_79 = vector.load %arg4[%get3A_76, %get3A_77, %get3A_78] : memref<1x3x2048xf32, #tpu.memory_space<vmem>>, vector<1x3x2048xf32>
    %get3A_80 = vector.shape_cast %get3A_79 : vector<1x3x2048xf32> to vector<3x2048xf32>
    %get3A_81 = arith.constant 0 : index
    %get3A_82 = arith.constant 0 : index
    %get3A_83 = vector.load %arg11[%get3A_81, %get3A_82] : memref<3x16xf32, #tpu.memory_space<vmem>>, vector<3x16xf32>
    %dot_general3A_84 = arith.constant dense<0.000000e+00> : vector<2048x16xf32>
    %dot_general3A_85 = tpu.matmul %get3A_80, %get3A_83, %dot_general3A_84 {dimension_numbers = #tpu.dot_dimension_numbers<[0], [0], [1], [1], [0, 1, 1, 1], [], []>, precision = #tpu.contract_precision<fp32>, transpose_lhs_hint = false} : vector<3x2048xf32>, vector<3x16xf32>, vector<2048x16xf32> -> vector<2048x16xf32>
    %swap3A_86 = arith.constant 0 : index
    %swap3A_87 = arith.constant 0 : index
    %swap3A_88 = arith.constant 0 : index
    %swap3A_89 = vector.load %arg15[%swap3A_86, %swap3A_87, %swap3A_88] : memref<1x2048x16xf32, #tpu.memory_space<vmem>>, vector<1x2048x16xf32>
    %swap3A_90 = vector.shape_cast %swap3A_89 : vector<1x2048x16xf32> to vector<2048x16xf32>
    %swap3A_91 = vector.shape_cast %dot_general3A_85 : vector<2048x16xf32> to vector<1x2048x16xf32>
    tpu.vector_store %arg15[%swap3A_86, %swap3A_87, %swap3A_88], %swap3A_91 {strides = array<i32>} : memref<1x2048x16xf32, #tpu.memory_space<vmem>>, vector<1x2048x16xf32>,
    return
  }
  func.func @transform_0(%arg0: i32) -> (i32, i32, i32) {
    %c0_i32 = arith.constant 0 : i32
    %c0_i32_0 = arith.constant 0 : i32
    %c0_i32_1 = arith.constant 0 : i32
    return %arg0, %c0_i32, %c0_i32_0 : i32, i32, i32
  }
  func.func @transform_1(%arg0: i32) -> (i32, i32, i32) {
    %c0_i32 = arith.constant 0 : i32
    %c0_i32_0 = arith.constant 0 : i32
    %c0_i32_1 = arith.constant 0 : i32
    return %arg0, %c0_i32, %c0_i32_0 : i32, i32, i32
  }
  func.func @transform_2(%arg0: i32) -> (i32, i32, i32) {
    %c0_i32 = arith.constant 0 : i32
    %c0_i32_0 = arith.constant 0 : i32
    %c0_i32_1 = arith.constant 0 : i32
    return %arg0, %c0_i32, %c0_i32_0 : i32, i32, i32
  }
  func.func @transform_3(%arg0: i32) -> (i32, i32, i32) {
    %c0_i32 = arith.constant 0 : i32
    %c0_i32_0 = arith.constant 0 : i32
    %c0_i32_1 = arith.constant 0 : i32
    return %arg0, %c0_i32, %c0_i32_0 : i32, i32, i32
  }
  func.func @transform_4(%arg0: i32) -> (i32, i32) {
    %c0_i32 = arith.constant 0 : i32
    %c0_i32_0 = arith.constant 0 : i32
    %c0_i32_1 = arith.constant 0 : i32
    return %c0_i32, %c0_i32_0 : i32, i32
  }
  func.func @transform_5(%arg0: i32) -> (i32, i32) {
    %c0_i32 = arith.constant 0 : i32
    %c0_i32_0 = arith.constant 0 : i32
    %c0_i32_1 = arith.constant 0 : i32
    return %c0_i32, %c0_i32_0 : i32, i32
  }
  func.func @transform_6(%arg0: i32) -> (i32, i32) {
    %c0_i32 = arith.constant 0 : i32
    %c0_i32_0 = arith.constant 0 : i32
    %c0_i32_1 = arith.constant 0 : i32
    return %c0_i32, %c0_i32_0 : i32, i32
  }
  func.func @transform_7(%arg0: i32) -> (i32, i32) {
    %c0_i32 = arith.constant 0 : i32
    %c0_i32_0 = arith.constant 0 : i32
    %c0_i32_1 = arith.constant 0 : i32
    return %c0_i32, %c0_i32_0 : i32, i32
  }
  func.func @transform_8(%arg0: i32) -> (i32, i32) {
    %c0_i32 = arith.constant 0 : i32
    %c0_i32_0 = arith.constant 0 : i32
    %c0_i32_1 = arith.constant 0 : i32
    return %c0_i32, %c0_i32_0 : i32, i32
  }
  func.func @transform_9(%arg0: i32) -> (i32, i32) {
    %c0_i32 = arith.constant 0 : i32
    %c0_i32_0 = arith.constant 0 : i32
    %c0_i32_1 = arith.constant 0 : i32
    return %c0_i32, %c0_i32_0 : i32, i32
  }
  func.func @transform_10(%arg0: i32) -> (i32, i32) {
    %c0_i32 = arith.constant 0 : i32
    %c0_i32_0 = arith.constant 0 : i32
    %c0_i32_1 = arith.constant 0 : i32
    return %c0_i32, %c0_i32_0 : i32, i32
  }
  func.func @transform_11(%arg0: i32) -> (i32, i32, i32) {
    %c0_i32 = arith.constant 0 : i32
    %c0_i32_0 = arith.constant 0 : i32
    %c0_i32_1 = arith.constant 0 : i32
    return %arg0, %c0_i32, %c0_i32_0 : i32, i32, i32
  }
  func.func @transform_12(%arg0: i32) -> (i32, i32, i32) {
    %c0_i32 = arith.constant 0 : i32
    %c0_i32_0 = arith.constant 0 : i32
    %c0_i32_1 = arith.constant 0 : i32
    return %arg0, %c0_i32, %c0_i32_0 : i32, i32, i32
  }
  func.func @transform_13(%arg0: i32) -> (i32, i32, i32) {
    %c0_i32 = arith.constant 0 : i32
    %c0_i32_0 = arith.constant 0 : i32
    %c0_i32_1 = arith.constant 0 : i32
    return %arg0, %c0_i32, %c0_i32_0 : i32, i32, i32
  }
  func.func @transform_14(%arg0: i32) -> (i32, i32, i32) {
    %c0_i32 = arith.constant 0 : i32
    %c0_i32_0 = arith.constant 0 : i32
    %c0_i32_1 = arith.constant 0 : i32
    return %arg0, %c0_i32, %c0_i32_0 : i32, i32, i32
  }
}

module attributes {stable_mosaic.version = 14 : i64} {
  func.func @_p45_body(%arg0: i32, %arg1: i32, %arg2: memref<2048x128xi32, #tpu.memory_space<vmem>>, %arg3: memref<2048x16xf32, #tpu.memory_space<vmem>>, %arg4: memref<128x128xf32, #tpu.memory_space<vmem>>, %arg5: memref<128x16xf32, #tpu.memory_space<vmem>>, %arg6: memref<16x128xf32, #tpu.memory_space<vmem>>, %arg7: memref<1x128xf32, #tpu.memory_space<vmem>>, %arg8: memref<1x128xf32, #tpu.memory_space<vmem>>, %arg9: memref<1x128xf32, #tpu.memory_space<vmem>>, %arg10: memref<128x128xf32, #tpu.memory_space<vmem>>, %arg11: memref<1x128xf32, #tpu.memory_space<vmem>>, %arg12: memref<128x512xf32, #tpu.memory_space<vmem>>, %arg13: memref<1x512xf32, #tpu.memory_space<vmem>>, %arg14: memref<1x512xf32, #tpu.memory_space<vmem>>, %arg15: memref<1x512xf32, #tpu.memory_space<vmem>>, %arg16: memref<128x512xf32, #tpu.memory_space<vmem>>, %arg17: memref<1x512xf32, #tpu.memory_space<vmem>>, %arg18: memref<16x128xf32, #tpu.memory_space<vmem>>, %arg19: memref<1x128xf32, #tpu.memory_space<vmem>>, %arg20: memref<8x16xf32, #tpu.memory_space<vmem>>, %arg21: memref<16x16xf32, #tpu.memory_space<vmem>>, %arg22: memref<8x128xf32, #tpu.memory_space<vmem>>, %arg23: memref<128x128xf32, #tpu.memory_space<vmem>>) attributes {dimension_semantics = [#tpu.dimension_semantics<arbitrary>, #tpu.dimension_semantics<arbitrary>], iteration_bounds = array<i64: 2, 64>, scalar_prefetch = 0 : i64, scratch_operands = 4 : i64, tpu.core_type = #tpu.core_type<tc>, window_params = [{transform_indices = @transform_0, window_bounds = array<i64: 2048, 128>}, {transform_indices = @transform_1, window_bounds = array<i64: 2048, 16>}, {transform_indices = @transform_2, window_bounds = array<i64: 128, 128>}, {transform_indices = @transform_3, window_bounds = array<i64: 128, 16>}, {pipeline_mode = #tpu.pipeline_mode<synchronous>, transform_indices = @transform_4, window_bounds = array<i64: 16, 128>}, {pipeline_mode = #tpu.pipeline_mode<synchronous>, transform_indices = @transform_5, window_bounds = array<i64: 1, 128>}, {pipeline_mode = #tpu.pipeline_mode<synchronous>, transform_indices = @transform_6, window_bounds = array<i64: 1, 128>}, {pipeline_mode = #tpu.pipeline_mode<synchronous>, transform_indices = @transform_7, window_bounds = array<i64: 1, 128>}, {pipeline_mode = #tpu.pipeline_mode<synchronous>, transform_indices = @transform_8, window_bounds = array<i64: 128, 128>}, {pipeline_mode = #tpu.pipeline_mode<synchronous>, transform_indices = @transform_9, window_bounds = array<i64: 1, 128>}, {pipeline_mode = #tpu.pipeline_mode<synchronous>, transform_indices = @transform_10, window_bounds = array<i64: 128, 512>}, {pipeline_mode = #tpu.pipeline_mode<synchronous>, transform_indices = @transform_11, window_bounds = array<i64: 1, 512>}, {pipeline_mode = #tpu.pipeline_mode<synchronous>, transform_indices = @transform_12, window_bounds = array<i64: 1, 512>}, {pipeline_mode = #tpu.pipeline_mode<synchronous>, transform_indices = @transform_13, window_bounds = array<i64: 1, 512>}, {pipeline_mode = #tpu.pipeline_mode<synchronous>, transform_indices = @transform_14, window_bounds = array<i64: 128, 512>}, {pipeline_mode = #tpu.pipeline_mode<synchronous>, transform_indices = @transform_15, window_bounds = array<i64: 1, 512>}, {pipeline_mode = #tpu.pipeline_mode<synchronous>, transform_indices = @transform_16, window_bounds = array<i64: 16, 128>}, {pipeline_mode = #tpu.pipeline_mode<synchronous>, transform_indices = @transform_17, window_bounds = array<i64: 1, 128>}]} {
    %eq3A = arith.constant 0 : i32
    %eq3A_0 = arith.cmpi eq, %arg0, %eq3A : i32
    %convert_element_type3A = arith.extui %eq3A_0 : i1 to i32
    %cond3A = arith.constant 0 : i32
    %cond3A_1 = arith.cmpi ne, %convert_element_type3A, %cond3A : i32
    scf.if %cond3A_1 {
      %get3A = arith.constant 0 : index
      %get3A_7 = arith.constant 0 : index
      %get3A_8 = vector.load %arg5[%get3A, %get3A_7] : memref<128x16xf32, #tpu.memory_space<vmem>>, vector<128x16xf32>
      %broadcast_in_dim3A = vector.shape_cast %get3A_8 : vector<128x16xf32> to vector<128x1x16xf32>
      %broadcast_in_dim3A_9 = vector.shape_cast %broadcast_in_dim3A : vector<128x1x16xf32> to vector<128x1x16xf32>
      %broadcast_in_dim3A_10 = vector.broadcast %broadcast_in_dim3A_9 : vector<128x1x16xf32> to vector<128x16x16xf32>
      %reshape3A = vector.shape_cast %broadcast_in_dim3A_10 : vector<128x16x16xf32> to vector<2048x16xf32>
      %get3A_11 = arith.constant 0 : index
      %get3A_12 = arith.constant 0 : index
      %get3A_13 = vector.load %arg3[%get3A_11, %get3A_12] : memref<2048x16xf32, #tpu.memory_space<vmem>>, vector<2048x16xf32>
      %sub3A = arith.subf %reshape3A, %get3A_13 : vector<2048x16xf32>
      %reshape3A_14 = vector.shape_cast %sub3A : vector<2048x16xf32> to vector<256x8x16xf32>
      %reduce_sum3A = arith.constant dense<0.000000e+00> : vector<8x16xf32>
      %reduce_sum3A_15 = vector.multi_reduction <add>, %reshape3A_14, %reduce_sum3A [0] : vector<256x8x16xf32> to vector<8x16xf32>
      %convert_element_type3A_16 = arith.truncf %sub3A : vector<2048x16xf32> to vector<2048x16xbf16>
      %convert_element_type3A_17 = arith.truncf %sub3A : vector<2048x16xf32> to vector<2048x16xbf16>
      %dot_general3A = arith.constant dense<0.000000e+00> : vector<16x16xf32>
      %dot_general3A_18 = tpu.matmul %convert_element_type3A_16, %convert_element_type3A_17, %dot_general3A {dimension_numbers = #tpu.dot_dimension_numbers<[0], [0], [1], [1], [0, 1, 1, 1], [], []>, transpose_lhs_hint = false} : vector<2048x16xbf16>, vector<2048x16xbf16>, vector<16x16xf32> -> vector<16x16xf32>
      %eq3A_19 = arith.constant 0 : i32
      %eq3A_20 = arith.cmpi eq, %arg1, %eq3A_19 : i32
      %convert_element_type3A_21 = arith.extui %eq3A_20 : i1 to i32
      %cond3A_22 = arith.constant 0 : i32
      %cond3A_23 = arith.cmpi ne, %convert_element_type3A_21, %cond3A_22 : i32
      scf.if %cond3A_23 {
        %broadcast_in_dim3A_41 = arith.constant 0.000000e+00 : f32
        %broadcast_in_dim3A_42 = vector.broadcast %broadcast_in_dim3A_41 : f32 to vector<8x16xf32>
        %swap3A_43 = arith.constant 0 : index
        %swap3A_44 = arith.constant 0 : index
        %swap3A_45 = vector.load %arg20[%swap3A_43, %swap3A_44] : memref<8x16xf32, #tpu.memory_space<vmem>>, vector<8x16xf32>
        tpu.vector_store %arg20[%swap3A_43, %swap3A_44], %broadcast_in_dim3A_42 {strides = array<i32>} : memref<8x16xf32, #tpu.memory_space<vmem>>, vector<8x16xf32>,
        %broadcast_in_dim3A_46 = arith.constant 0.000000e+00 : f32
        %broadcast_in_dim3A_47 = vector.broadcast %broadcast_in_dim3A_46 : f32 to vector<16x16xf32>
        %swap3A_48 = arith.constant 0 : index
        %swap3A_49 = arith.constant 0 : index
        %swap3A_50 = vector.load %arg21[%swap3A_48, %swap3A_49] : memref<16x16xf32, #tpu.memory_space<vmem>>, vector<16x16xf32>
        tpu.vector_store %arg21[%swap3A_48, %swap3A_49], %broadcast_in_dim3A_47 {strides = array<i32>} : memref<16x16xf32, #tpu.memory_space<vmem>>, vector<16x16xf32>,
      } else {
      }
      %get3A_24 = arith.constant 0 : index
      %get3A_25 = arith.constant 0 : index
      %get3A_26 = vector.load %arg20[%get3A_24, %get3A_25] : memref<8x16xf32, #tpu.memory_space<vmem>>, vector<8x16xf32>
      %add3A = arith.addf %get3A_26, %reduce_sum3A_15 : vector<8x16xf32>
      %swap3A = arith.constant 0 : index
      %swap3A_27 = arith.constant 0 : index
      %swap3A_28 = vector.load %arg20[%swap3A, %swap3A_27] : memref<8x16xf32, #tpu.memory_space<vmem>>, vector<8x16xf32>
      tpu.vector_store %arg20[%swap3A, %swap3A_27], %add3A {strides = array<i32>} : memref<8x16xf32, #tpu.memory_space<vmem>>, vector<8x16xf32>,
      %get3A_29 = arith.constant 0 : index
      %get3A_30 = arith.constant 0 : index
      %get3A_31 = vector.load %arg21[%get3A_29, %get3A_30] : memref<16x16xf32, #tpu.memory_space<vmem>>, vector<16x16xf32>
      %add3A_32 = arith.addf %get3A_31, %dot_general3A_18 : vector<16x16xf32>
      %swap3A_33 = arith.constant 0 : index
      %swap3A_34 = arith.constant 0 : index
      %swap3A_35 = vector.load %arg21[%swap3A_33, %swap3A_34] : memref<16x16xf32, #tpu.memory_space<vmem>>, vector<16x16xf32>
      tpu.vector_store %arg21[%swap3A_33, %swap3A_34], %add3A_32 {strides = array<i32>} : memref<16x16xf32, #tpu.memory_space<vmem>>, vector<16x16xf32>,
      %eq3A_36 = arith.constant 63 : i32
      %eq3A_37 = arith.cmpi eq, %arg1, %eq3A_36 : i32
      %convert_element_type3A_38 = arith.extui %eq3A_37 : i1 to i32
      %cond3A_39 = arith.constant 0 : i32
      %cond3A_40 = arith.cmpi ne, %convert_element_type3A_38, %cond3A_39 : i32
      scf.if %cond3A_40 {
        %get3A_41 = arith.constant 0 : index
        %get3A_42 = arith.constant 0 : index
        %get3A_43 = vector.load %arg6[%get3A_41, %get3A_42] : memref<16x128xf32, #tpu.memory_space<vmem>>, vector<16x128xf32>
        %get3A_44 = arith.constant 0 : index
        %get3A_45 = arith.constant 0 : index
        %get3A_46 = vector.load %arg7[%get3A_44, %get3A_45] : memref<1x128xf32, #tpu.memory_space<vmem>>, vector<1x128xf32>
        %get3A_47 = arith.constant 0 : index
        %get3A_48 = arith.constant 0 : index
        %get3A_49 = vector.load %arg8[%get3A_47, %get3A_48] : memref<1x128xf32, #tpu.memory_space<vmem>>, vector<1x128xf32>
        %get3A_50 = arith.constant 0 : index
        %get3A_51 = arith.constant 0 : index
        %get3A_52 = vector.load %arg9[%get3A_50, %get3A_51] : memref<1x128xf32, #tpu.memory_space<vmem>>, vector<1x128xf32>
        %get3A_53 = arith.constant 0 : index
        %get3A_54 = arith.constant 0 : index
        %get3A_55 = vector.load %arg20[%get3A_53, %get3A_54] : memref<8x16xf32, #tpu.memory_space<vmem>>, vector<8x16xf32>
        %reduce_sum3A_56 = arith.constant dense<0.000000e+00> : vector<16xf32>
        %reduce_sum3A_57 = vector.multi_reduction <add>, %get3A_55, %reduce_sum3A_56 [0] : vector<8x16xf32> to vector<16xf32>
        %broadcast_in_dim3A_58 = vector.shape_cast %reduce_sum3A_57 : vector<16xf32> to vector<1x16xf32>
        %mul3A = arith.constant 7.62939453E-6 : f32
        %mul3A_59 = vector.broadcast %mul3A : f32 to vector<1x16xf32>
        %mul3A_60 = arith.mulf %broadcast_in_dim3A_58, %mul3A_59 : vector<1x16xf32>
        %get3A_61 = arith.constant 0 : index
        %get3A_62 = arith.constant 0 : index
        %get3A_63 = vector.load %arg21[%get3A_61, %get3A_62] : memref<16x16xf32, #tpu.memory_space<vmem>>, vector<16x16xf32>
        %mul3A_64 = arith.constant 7.62939453E-6 : f32
        %mul3A_65 = vector.broadcast %mul3A_64 : f32 to vector<16x16xf32>
        %mul3A_66 = arith.mulf %get3A_63, %mul3A_65 : vector<16x16xf32>
        %dot_general3A_67 = arith.constant dense<0.000000e+00> : vector<1x128xf32>
        %dot_general3A_68 = tpu.matmul %mul3A_60, %get3A_43, %dot_general3A_67 {dimension_numbers = #tpu.dot_dimension_numbers<[1], [0], [0], [1], [0, 0, 1, 1], [], []>, precision = #tpu.contract_precision<fp32>, transpose_lhs_hint = false} : vector<1x16xf32>, vector<16x128xf32>, vector<1x128xf32> -> vector<1x128xf32>
        %dot_general3A_69 = arith.constant dense<0.000000e+00> : vector<16x128xf32>
        %dot_general3A_70 = tpu.matmul %mul3A_66, %get3A_43, %dot_general3A_69 {dimension_numbers = #tpu.dot_dimension_numbers<[1], [0], [0], [1], [0, 0, 1, 1], [], []>, precision = #tpu.contract_precision<fp32>, transpose_lhs_hint = false} : vector<16x16xf32>, vector<16x128xf32>, vector<16x128xf32> -> vector<16x128xf32>
        %mul3A_71 = arith.mulf %get3A_43, %dot_general3A_70 : vector<16x128xf32>
        %reduce_sum3A_72 = arith.constant dense<0.000000e+00> : vector<128xf32>
        %reduce_sum3A_73 = vector.multi_reduction <add>, %mul3A_71, %reduce_sum3A_72 [0] : vector<16x128xf32> to vector<128xf32>
        %broadcast_in_dim3A_74 = vector.shape_cast %reduce_sum3A_73 : vector<128xf32> to vector<1x128xf32>
        %mul3A_75 = arith.mulf %dot_general3A_68, %dot_general3A_68 : vector<1x128xf32>
        %sub3A_76 = arith.subf %broadcast_in_dim3A_74, %mul3A_75 : vector<1x128xf32>
        %add3A_77 = arith.constant 9.99999974E-6 : f32
        %add3A_78 = vector.broadcast %add3A_77 : f32 to vector<1x128xf32>
        %add3A_79 = arith.addf %sub3A_76, %add3A_78 : vector<1x128xf32>
        %rsqrt3A = math.rsqrt %add3A_79 : vector<1x128xf32>
        %mul3A_80 = arith.mulf %get3A_49, %rsqrt3A : vector<1x128xf32>
        %mul3A_81 = vector.broadcast %mul3A_80 : vector<1x128xf32> to vector<16x128xf32>
        %mul3A_82 = arith.mulf %get3A_43, %mul3A_81 : vector<16x128xf32>
        %add3A_83 = arith.addf %dot_general3A_68, %get3A_46 : vector<1x128xf32>
        %sub3A_84 = arith.subf %get3A_46, %add3A_83 : vector<1x128xf32>
        %mul3A_85 = arith.mulf %sub3A_84, %mul3A_80 : vector<1x128xf32>
        %add3A_86 = arith.addf %mul3A_85, %get3A_52 : vector<1x128xf32>
        %swap3A_87 = arith.constant 0 : index
        %swap3A_88 = arith.constant 0 : index
        %swap3A_89 = vector.load %arg18[%swap3A_87, %swap3A_88] : memref<16x128xf32, #tpu.memory_space<vmem>>, vector<16x128xf32>
        tpu.vector_store %arg18[%swap3A_87, %swap3A_88], %mul3A_82 {strides = array<i32>} : memref<16x128xf32, #tpu.memory_space<vmem>>, vector<16x128xf32>,
        %swap3A_90 = arith.constant 0 : index
        %swap3A_91 = arith.constant 0 : index
        %swap3A_92 = vector.load %arg19[%swap3A_90, %swap3A_91] : memref<1x128xf32, #tpu.memory_space<vmem>>, vector<1x128xf32>
        tpu.vector_store %arg19[%swap3A_90, %swap3A_91], %add3A_86 {strides = array<i32>} : memref<1x128xf32, #tpu.memory_space<vmem>>, vector<1x128xf32>,
      } else {
      }
    } else {
    }
    %eq3A_2 = arith.constant 1 : i32
    %eq3A_3 = arith.cmpi eq, %arg0, %eq3A_2 : i32
    %convert_element_type3A_4 = arith.extui %eq3A_3 : i1 to i32
    %cond3A_5 = arith.constant 0 : i32
    %cond3A_6 = arith.cmpi ne, %convert_element_type3A_4, %cond3A_5 : i32
    scf.if %cond3A_6 {
      %get3A = arith.constant 0 : index
      %get3A_7 = arith.constant 0 : index
      %get3A_8 = vector.load %arg3[%get3A, %get3A_7] : memref<2048x16xf32, #tpu.memory_space<vmem>>, vector<2048x16xf32>
      %get3A_9 = arith.constant 0 : index
      %get3A_10 = arith.constant 0 : index
      %get3A_11 = vector.load %arg5[%get3A_9, %get3A_10] : memref<128x16xf32, #tpu.memory_space<vmem>>, vector<128x16xf32>
      %get3A_12 = arith.constant 0 : index
      %get3A_13 = arith.constant 0 : index
      %get3A_14 = vector.load %arg18[%get3A_12, %get3A_13] : memref<16x128xf32, #tpu.memory_space<vmem>>, vector<16x128xf32>
      %get3A_15 = arith.constant 0 : index
      %get3A_16 = arith.constant 0 : index
      %get3A_17 = vector.load %arg19[%get3A_15, %get3A_16] : memref<1x128xf32, #tpu.memory_space<vmem>>, vector<1x128xf32>
      %get3A_18 = arith.constant 0 : index
      %get3A_19 = arith.constant 0 : index
      %get3A_20 = vector.load %arg10[%get3A_18, %get3A_19] : memref<128x128xf32, #tpu.memory_space<vmem>>, vector<128x128xf32>
      %get3A_21 = arith.constant 0 : index
      %get3A_22 = arith.constant 0 : index
      %get3A_23 = vector.load %arg11[%get3A_21, %get3A_22] : memref<1x128xf32, #tpu.memory_space<vmem>>, vector<1x128xf32>
      %broadcast_in_dim3A = vector.shape_cast %get3A_11 : vector<128x16xf32> to vector<128x1x16xf32>
      %broadcast_in_dim3A_24 = vector.shape_cast %broadcast_in_dim3A : vector<128x1x16xf32> to vector<128x1x16xf32>
      %broadcast_in_dim3A_25 = vector.broadcast %broadcast_in_dim3A_24 : vector<128x1x16xf32> to vector<128x16x16xf32>
      %reshape3A = vector.shape_cast %broadcast_in_dim3A_25 : vector<128x16x16xf32> to vector<2048x16xf32>
      %sub3A = arith.subf %reshape3A, %get3A_8 : vector<2048x16xf32>
      %convert_element_type3A_26 = arith.truncf %sub3A : vector<2048x16xf32> to vector<2048x16xbf16>
      %convert_element_type3A_27 = arith.truncf %get3A_14 : vector<16x128xf32> to vector<16x128xbf16>
      %dot_general3A = arith.constant dense<0.000000e+00> : vector<2048x128xf32>
      %dot_general3A_28 = tpu.matmul %convert_element_type3A_26, %convert_element_type3A_27, %dot_general3A {dimension_numbers = #tpu.dot_dimension_numbers<[1], [0], [0], [1], [0, 0, 1, 1], [], []>, transpose_lhs_hint = false} : vector<2048x16xbf16>, vector<16x128xbf16>, vector<2048x128xf32> -> vector<2048x128xf32>
      %add3A = vector.broadcast %get3A_17 : vector<1x128xf32> to vector<2048x128xf32>
      %add3A_29 = arith.addf %dot_general3A_28, %add3A : vector<2048x128xf32>
      %max3A = arith.constant 0.000000e+00 : f32
      %max3A_30 = vector.broadcast %max3A : f32 to vector<2048x128xf32>
      %max3A_31 = arith.maximumf %add3A_29, %max3A_30 : vector<2048x128xf32>
      %convert_element_type3A_32 = arith.truncf %max3A_31 : vector<2048x128xf32> to vector<2048x128xbf16>
      %convert_element_type3A_33 = arith.truncf %get3A_20 : vector<128x128xf32> to vector<128x128xbf16>
      %dot_general3A_34 = arith.constant dense<0.000000e+00> : vector<2048x128xf32>
      %dot_general3A_35 = tpu.matmul %convert_element_type3A_32, %convert_element_type3A_33, %dot_general3A_34 {dimension_numbers = #tpu.dot_dimension_numbers<[1], [0], [0], [1], [0, 0, 1, 1], [], []>, transpose_lhs_hint = false} : vector<2048x128xbf16>, vector<128x128xbf16>, vector<2048x128xf32> -> vector<2048x128xf32>
      %add3A_36 = vector.broadcast %get3A_23 : vector<1x128xf32> to vector<2048x128xf32>
      %add3A_37 = arith.addf %dot_general3A_35, %add3A_36 : vector<2048x128xf32>
      %get3A_38 = arith.constant 0 : index
      %get3A_39 = arith.constant 0 : index
      %get3A_40 = vector.load %arg4[%get3A_38, %get3A_39] : memref<128x128xf32, #tpu.memory_space<vmem>>, vector<128x128xf32>
      %broadcast_in_dim3A_41 = vector.shape_cast %get3A_40 : vector<128x128xf32> to vector<128x1x128xf32>
      %broadcast_in_dim3A_42 = vector.shape_cast %broadcast_in_dim3A_41 : vector<128x1x128xf32> to vector<128x1x128xf32>
      %broadcast_in_dim3A_43 = vector.broadcast %broadcast_in_dim3A_42 : vector<128x1x128xf32> to vector<128x16x128xf32>
      %reshape3A_44 = vector.shape_cast %broadcast_in_dim3A_43 : vector<128x16x128xf32> to vector<2048x128xf32>
      %get3A_45 = arith.constant 0 : index
      %get3A_46 = arith.constant 0 : index
      %get3A_47 = vector.load %arg2[%get3A_45, %get3A_46] : memref<2048x128xi32, #tpu.memory_space<vmem>>, vector<2048x128xi32>
      %and3A = arith.constant -65536 : i32
      %and3A_48 = vector.broadcast %and3A : i32 to vector<2048x128xi32>
      %and3A_49 = arith.andi %get3A_47, %and3A_48 : vector<2048x128xi32>
      %bitcast_convert_type3A = tpu.bitcast %and3A_49 : vector<2048x128xi32> -> vector<2048x128xf32>
      %sub3A_50 = arith.subf %reshape3A_44, %bitcast_convert_type3A : vector<2048x128xf32>
      %add3A_51 = arith.addf %sub3A_50, %add3A_37 : vector<2048x128xf32>
      %eq3A_52 = arith.constant 0 : i32
      %eq3A_53 = arith.cmpi eq, %arg1, %eq3A_52 : i32
      %convert_element_type3A_54 = arith.extui %eq3A_53 : i1 to i32
      %cond3A_55 = arith.constant 0 : i32
      %cond3A_56 = arith.cmpi ne, %convert_element_type3A_54, %cond3A_55 : i32
      scf.if %cond3A_56 {
        %broadcast_in_dim3A_81 = arith.constant 0.000000e+00 : f32
        %broadcast_in_dim3A_82 = vector.broadcast %broadcast_in_dim3A_81 : f32 to vector<8x128xf32>
        %swap3A_83 = arith.constant 0 : index
        %swap3A_84 = arith.constant 0 : index
        %swap3A_85 = vector.load %arg22[%swap3A_83, %swap3A_84] : memref<8x128xf32, #tpu.memory_space<vmem>>, vector<8x128xf32>
        tpu.vector_store %arg22[%swap3A_83, %swap3A_84], %broadcast_in_dim3A_82 {strides = array<i32>} : memref<8x128xf32, #tpu.memory_space<vmem>>, vector<8x128xf32>,
        %broadcast_in_dim3A_86 = arith.constant 0.000000e+00 : f32
        %broadcast_in_dim3A_87 = vector.broadcast %broadcast_in_dim3A_86 : f32 to vector<128x128xf32>
        %swap3A_88 = arith.constant 0 : index
        %swap3A_89 = arith.constant 0 : index
        %swap3A_90 = vector.load %arg23[%swap3A_88, %swap3A_89] : memref<128x128xf32, #tpu.memory_space<vmem>>, vector<128x128xf32>
        tpu.vector_store %arg23[%swap3A_88, %swap3A_89], %broadcast_in_dim3A_87 {strides = array<i32>} : memref<128x128xf32, #tpu.memory_space<vmem>>, vector<128x128xf32>,
      } else {
      }
      %get3A_57 = arith.constant 0 : index
      %get3A_58 = arith.constant 0 : index
      %get3A_59 = vector.load %arg22[%get3A_57, %get3A_58] : memref<8x128xf32, #tpu.memory_space<vmem>>, vector<8x128xf32>
      %reshape3A_60 = vector.shape_cast %add3A_51 : vector<2048x128xf32> to vector<256x8x128xf32>
      %reduce_sum3A = arith.constant dense<0.000000e+00> : vector<8x128xf32>
      %reduce_sum3A_61 = vector.multi_reduction <add>, %reshape3A_60, %reduce_sum3A [0] : vector<256x8x128xf32> to vector<8x128xf32>
      %add3A_62 = arith.addf %get3A_59, %reduce_sum3A_61 : vector<8x128xf32>
      %swap3A = arith.constant 0 : index
      %swap3A_63 = arith.constant 0 : index
      %swap3A_64 = vector.load %arg22[%swap3A, %swap3A_63] : memref<8x128xf32, #tpu.memory_space<vmem>>, vector<8x128xf32>
      tpu.vector_store %arg22[%swap3A, %swap3A_63], %add3A_62 {strides = array<i32>} : memref<8x128xf32, #tpu.memory_space<vmem>>, vector<8x128xf32>,
      %get3A_65 = arith.constant 0 : index
      %get3A_66 = arith.constant 0 : index
      %get3A_67 = vector.load %arg23[%get3A_65, %get3A_66] : memref<128x128xf32, #tpu.memory_space<vmem>>, vector<128x128xf32>
      %convert_element_type3A_68 = arith.truncf %add3A_51 : vector<2048x128xf32> to vector<2048x128xbf16>
      %convert_element_type3A_69 = arith.truncf %add3A_51 : vector<2048x128xf32> to vector<2048x128xbf16>
      %dot_general3A_70 = arith.constant dense<0.000000e+00> : vector<128x128xf32>
      %dot_general3A_71 = tpu.matmul %convert_element_type3A_68, %convert_element_type3A_69, %dot_general3A_70 {dimension_numbers = #tpu.dot_dimension_numbers<[0], [0], [1], [1], [0, 1, 1, 1], [], []>, transpose_lhs_hint = false} : vector<2048x128xbf16>, vector<2048x128xbf16>, vector<128x128xf32> -> vector<128x128xf32>
      %add3A_72 = arith.addf %get3A_67, %dot_general3A_71 : vector<128x128xf32>
      %swap3A_73 = arith.constant 0 : index
      %swap3A_74 = arith.constant 0 : index
      %swap3A_75 = vector.load %arg23[%swap3A_73, %swap3A_74] : memref<128x128xf32, #tpu.memory_space<vmem>>, vector<128x128xf32>
      tpu.vector_store %arg23[%swap3A_73, %swap3A_74], %add3A_72 {strides = array<i32>} : memref<128x128xf32, #tpu.memory_space<vmem>>, vector<128x128xf32>,
      %eq3A_76 = arith.constant 63 : i32
      %eq3A_77 = arith.cmpi eq, %arg1, %eq3A_76 : i32
      %convert_element_type3A_78 = arith.extui %eq3A_77 : i1 to i32
      %cond3A_79 = arith.constant 0 : i32
      %cond3A_80 = arith.cmpi ne, %convert_element_type3A_78, %cond3A_79 : i32
      scf.if %cond3A_80 {
        %get3A_81 = arith.constant 0 : index
        %get3A_82 = arith.constant 0 : index
        %get3A_83 = vector.load %arg12[%get3A_81, %get3A_82] : memref<128x512xf32, #tpu.memory_space<vmem>>, vector<128x512xf32>
        %get3A_84 = arith.constant 0 : index
        %get3A_85 = arith.constant 0 : index
        %get3A_86 = vector.load %arg13[%get3A_84, %get3A_85] : memref<1x512xf32, #tpu.memory_space<vmem>>, vector<1x512xf32>
        %get3A_87 = arith.constant 0 : index
        %get3A_88 = arith.constant 0 : index
        %get3A_89 = vector.load %arg14[%get3A_87, %get3A_88] : memref<1x512xf32, #tpu.memory_space<vmem>>, vector<1x512xf32>
        %get3A_90 = arith.constant 0 : index
        %get3A_91 = arith.constant 0 : index
        %get3A_92 = vector.load %arg15[%get3A_90, %get3A_91] : memref<1x512xf32, #tpu.memory_space<vmem>>, vector<1x512xf32>
        %get3A_93 = arith.constant 0 : index
        %get3A_94 = arith.constant 0 : index
        %get3A_95 = vector.load %arg22[%get3A_93, %get3A_94] : memref<8x128xf32, #tpu.memory_space<vmem>>, vector<8x128xf32>
        %reduce_sum3A_96 = arith.constant dense<0.000000e+00> : vector<128xf32>
        %reduce_sum3A_97 = vector.multi_reduction <add>, %get3A_95, %reduce_sum3A_96 [0] : vector<8x128xf32> to vector<128xf32>
        %broadcast_in_dim3A_98 = vector.shape_cast %reduce_sum3A_97 : vector<128xf32> to vector<1x128xf32>
        %mul3A = arith.constant 7.62939453E-6 : f32
        %mul3A_99 = vector.broadcast %mul3A : f32 to vector<1x128xf32>
        %mul3A_100 = arith.mulf %broadcast_in_dim3A_98, %mul3A_99 : vector<1x128xf32>
        %get3A_101 = arith.constant 0 : index
        %get3A_102 = arith.constant 0 : index
        %get3A_103 = vector.load %arg23[%get3A_101, %get3A_102] : memref<128x128xf32, #tpu.memory_space<vmem>>, vector<128x128xf32>
        %mul3A_104 = arith.constant 7.62939453E-6 : f32
        %mul3A_105 = vector.broadcast %mul3A_104 : f32 to vector<128x128xf32>
        %mul3A_106 = arith.mulf %get3A_103, %mul3A_105 : vector<128x128xf32>
        %dot_general3A_107 = arith.constant dense<0.000000e+00> : vector<1x512xf32>
        %dot_general3A_108 = tpu.matmul %mul3A_100, %get3A_83, %dot_general3A_107 {dimension_numbers = #tpu.dot_dimension_numbers<[1], [0], [0], [1], [0, 0, 1, 1], [], []>, precision = #tpu.contract_precision<fp32>, transpose_lhs_hint = false} : vector<1x128xf32>, vector<128x512xf32>, vector<1x512xf32> -> vector<1x512xf32>
        %dot_general3A_109 = arith.constant dense<0.000000e+00> : vector<128x512xf32>
        %dot_general3A_110 = tpu.matmul %mul3A_106, %get3A_83, %dot_general3A_109 {dimension_numbers = #tpu.dot_dimension_numbers<[1], [0], [0], [1], [0, 0, 1, 1], [], []>, precision = #tpu.contract_precision<fp32>, transpose_lhs_hint = false} : vector<128x128xf32>, vector<128x512xf32>, vector<128x512xf32> -> vector<128x512xf32>
        %mul3A_111 = arith.mulf %get3A_83, %dot_general3A_110 : vector<128x512xf32>
        %reduce_sum3A_112 = arith.constant dense<0.000000e+00> : vector<512xf32>
        %reduce_sum3A_113 = vector.multi_reduction <add>, %mul3A_111, %reduce_sum3A_112 [0] : vector<128x512xf32> to vector<512xf32>
        %broadcast_in_dim3A_114 = vector.shape_cast %reduce_sum3A_113 : vector<512xf32> to vector<1x512xf32>
        %mul3A_115 = arith.mulf %dot_general3A_108, %dot_general3A_108 : vector<1x512xf32>
        %sub3A_116 = arith.subf %broadcast_in_dim3A_114, %mul3A_115 : vector<1x512xf32>
        %add3A_117 = arith.constant 9.99999974E-6 : f32
        %add3A_118 = vector.broadcast %add3A_117 : f32 to vector<1x512xf32>
        %add3A_119 = arith.addf %sub3A_116, %add3A_118 : vector<1x512xf32>
        %rsqrt3A = math.rsqrt %add3A_119 : vector<1x512xf32>
        %mul3A_120 = arith.mulf %get3A_89, %rsqrt3A : vector<1x512xf32>
        %mul3A_121 = vector.broadcast %mul3A_120 : vector<1x512xf32> to vector<128x512xf32>
        %mul3A_122 = arith.mulf %get3A_83, %mul3A_121 : vector<128x512xf32>
        %add3A_123 = arith.addf %dot_general3A_108, %get3A_86 : vector<1x512xf32>
        %sub3A_124 = arith.subf %get3A_86, %add3A_123 : vector<1x512xf32>
        %mul3A_125 = arith.mulf %sub3A_124, %mul3A_120 : vector<1x512xf32>
        %add3A_126 = arith.addf %mul3A_125, %get3A_92 : vector<1x512xf32>
        %swap3A_127 = arith.constant 0 : index
        %swap3A_128 = arith.constant 0 : index
        %swap3A_129 = vector.load %arg16[%swap3A_127, %swap3A_128] : memref<128x512xf32, #tpu.memory_space<vmem>>, vector<128x512xf32>
        tpu.vector_store %arg16[%swap3A_127, %swap3A_128], %mul3A_122 {strides = array<i32>} : memref<128x512xf32, #tpu.memory_space<vmem>>, vector<128x512xf32>,
        %swap3A_130 = arith.constant 0 : index
        %swap3A_131 = arith.constant 0 : index
        %swap3A_132 = vector.load %arg17[%swap3A_130, %swap3A_131] : memref<1x512xf32, #tpu.memory_space<vmem>>, vector<1x512xf32>
        tpu.vector_store %arg17[%swap3A_130, %swap3A_131], %add3A_126 {strides = array<i32>} : memref<1x512xf32, #tpu.memory_space<vmem>>, vector<1x512xf32>,
      } else {
      }
    } else {
    }
    return
  }
  func.func @transform_0(%arg0: i32, %arg1: i32) -> (i32, i32) {
    %mul3A = arith.muli %arg1, %arg0 : i32
    %c0_i32 = arith.constant 0 : i32
    %c0_i32_0 = arith.constant 0 : i32
    return %mul3A, %c0_i32 : i32, i32
  }
  func.func @transform_1(%arg0: i32, %arg1: i32) -> (i32, i32) {
    %c0_i32 = arith.constant 0 : i32
    %c0_i32_0 = arith.constant 0 : i32
    return %arg1, %c0_i32 : i32, i32
  }
  func.func @transform_2(%arg0: i32, %arg1: i32) -> (i32, i32) {
    %mul3A = arith.muli %arg1, %arg0 : i32
    %c0_i32 = arith.constant 0 : i32
    %c0_i32_0 = arith.constant 0 : i32
    return %mul3A, %c0_i32 : i32, i32
  }
  func.func @transform_3(%arg0: i32, %arg1: i32) -> (i32, i32) {
    %c0_i32 = arith.constant 0 : i32
    %c0_i32_0 = arith.constant 0 : i32
    return %arg1, %c0_i32 : i32, i32
  }
  func.func @transform_4(%arg0: i32, %arg1: i32) -> (i32, i32) {
    %c0_i32 = arith.constant 0 : i32
    %c0_i32_0 = arith.constant 0 : i32
    %c0_i32_1 = arith.constant 0 : i32
    return %c0_i32, %c0_i32_0 : i32, i32
  }
  func.func @transform_5(%arg0: i32, %arg1: i32) -> (i32, i32) {
    %c0_i32 = arith.constant 0 : i32
    %c0_i32_0 = arith.constant 0 : i32
    %c0_i32_1 = arith.constant 0 : i32
    return %c0_i32, %c0_i32_0 : i32, i32
  }
  func.func @transform_6(%arg0: i32, %arg1: i32) -> (i32, i32) {
    %c0_i32 = arith.constant 0 : i32
    %c0_i32_0 = arith.constant 0 : i32
    %c0_i32_1 = arith.constant 0 : i32
    return %c0_i32, %c0_i32_0 : i32, i32
  }
  func.func @transform_7(%arg0: i32, %arg1: i32) -> (i32, i32) {
    %c0_i32 = arith.constant 0 : i32
    %c0_i32_0 = arith.constant 0 : i32
    %c0_i32_1 = arith.constant 0 : i32
    return %c0_i32, %c0_i32_0 : i32, i32
  }
  func.func @transform_8(%arg0: i32, %arg1: i32) -> (i32, i32) {
    %c0_i32 = arith.constant 0 : i32
    %c0_i32_0 = arith.constant 0 : i32
    %c0_i32_1 = arith.constant 0 : i32
    return %c0_i32, %c0_i32_0 : i32, i32
  }
  func.func @transform_9(%arg0: i32, %arg1: i32) -> (i32, i32) {
    %c0_i32 = arith.constant 0 : i32
    %c0_i32_0 = arith.constant 0 : i32
    %c0_i32_1 = arith.constant 0 : i32
    return %c0_i32, %c0_i32_0 : i32, i32
  }
  func.func @transform_10(%arg0: i32, %arg1: i32) -> (i32, i32) {
    %c0_i32 = arith.constant 0 : i32
    %c0_i32_0 = arith.constant 0 : i32
    %c0_i32_1 = arith.constant 0 : i32
    return %c0_i32, %c0_i32_0 : i32, i32
  }
  func.func @transform_11(%arg0: i32, %arg1: i32) -> (i32, i32) {
    %c0_i32 = arith.constant 0 : i32
    %c0_i32_0 = arith.constant 0 : i32
    %c0_i32_1 = arith.constant 0 : i32
    return %c0_i32, %c0_i32_0 : i32, i32
  }
  func.func @transform_12(%arg0: i32, %arg1: i32) -> (i32, i32) {
    %c0_i32 = arith.constant 0 : i32
    %c0_i32_0 = arith.constant 0 : i32
    %c0_i32_1 = arith.constant 0 : i32
    return %c0_i32, %c0_i32_0 : i32, i32
  }
  func.func @transform_13(%arg0: i32, %arg1: i32) -> (i32, i32) {
    %c0_i32 = arith.constant 0 : i32
    %c0_i32_0 = arith.constant 0 : i32
    %c0_i32_1 = arith.constant 0 : i32
    return %c0_i32, %c0_i32_0 : i32, i32
  }
  func.func @transform_14(%arg0: i32, %arg1: i32) -> (i32, i32) {
    %c0_i32 = arith.constant 0 : i32
    %c0_i32_0 = arith.constant 0 : i32
    %c0_i32_1 = arith.constant 0 : i32
    return %c0_i32, %c0_i32_0 : i32, i32
  }
  func.func @transform_15(%arg0: i32, %arg1: i32) -> (i32, i32) {
    %c0_i32 = arith.constant 0 : i32
    %c0_i32_0 = arith.constant 0 : i32
    %c0_i32_1 = arith.constant 0 : i32
    return %c0_i32, %c0_i32_0 : i32, i32
  }
  func.func @transform_16(%arg0: i32, %arg1: i32) -> (i32, i32) {
    %c0_i32 = arith.constant 0 : i32
    %c0_i32_0 = arith.constant 0 : i32
    %c0_i32_1 = arith.constant 0 : i32
    return %c0_i32, %c0_i32_0 : i32, i32
  }
  func.func @transform_17(%arg0: i32, %arg1: i32) -> (i32, i32) {
    %c0_i32 = arith.constant 0 : i32
    %c0_i32_0 = arith.constant 0 : i32
    %c0_i32_1 = arith.constant 0 : i32
    return %c0_i32, %c0_i32_0 : i32, i32
  }
}

module attributes {stable_mosaic.version = 14 : i64} {
  func.func @_p6_body(%arg0: i32, %arg1: i32, %arg2: memref<2048x128xi32, #tpu.memory_space<vmem>>, %arg3: memref<2048x16xf32, #tpu.memory_space<vmem>>, %arg4: memref<128x128xf32, #tpu.memory_space<vmem>>, %arg5: memref<128x16xf32, #tpu.memory_space<vmem>>, %arg6: memref<1x256x128xf32, #tpu.memory_space<vmem>>, %arg7: memref<16x128xf32, #tpu.memory_space<vmem>>, %arg8: memref<1x128xf32, #tpu.memory_space<vmem>>, %arg9: memref<128x128xf32, #tpu.memory_space<vmem>>, %arg10: memref<1x128xf32, #tpu.memory_space<vmem>>, %arg11: memref<128x512xf32, #tpu.memory_space<vmem>>, %arg12: memref<1x512xf32, #tpu.memory_space<vmem>>, %arg13: memref<512x128xf32, #tpu.memory_space<vmem>>, %arg14: memref<1x128xf32, #tpu.memory_space<vmem>>, %arg15: memref<256x128xf32, #tpu.memory_space<vmem>>, %arg16: memref<256x1xf32, #tpu.memory_space<vmem>>, %arg17: memref<1x256x128xf32, #tpu.memory_space<vmem>>) attributes {dimension_semantics = [#tpu.dimension_semantics<arbitrary>, #tpu.dimension_semantics<arbitrary>], iteration_bounds = array<i64: 4, 16>, scalar_prefetch = 0 : i64, scratch_operands = 0 : i64, tpu.core_type = #tpu.core_type<tc>, window_params = [{transform_indices = @transform_0, window_bounds = array<i64: 2048, 128>}, {transform_indices = @transform_1, window_bounds = array<i64: 2048, 16>}, {transform_indices = @transform_2, window_bounds = array<i64: 128, 128>}, {transform_indices = @transform_3, window_bounds = array<i64: 128, 16>}, {transform_indices = @transform_4, window_bounds = array<i64: 1, 256, 128>}, {pipeline_mode = #tpu.pipeline_mode<synchronous>, transform_indices = @transform_5, window_bounds = array<i64: 16, 128>}, {pipeline_mode = #tpu.pipeline_mode<synchronous>, transform_indices = @transform_6, window_bounds = array<i64: 1, 128>}, {pipeline_mode = #tpu.pipeline_mode<synchronous>, transform_indices = @transform_7, window_bounds = array<i64: 128, 128>}, {pipeline_mode = #tpu.pipeline_mode<synchronous>, transform_indices = @transform_8, window_bounds = array<i64: 1, 128>}, {pipeline_mode = #tpu.pipeline_mode<synchronous>, transform_indices = @transform_9, window_bounds = array<i64: 128, 512>}, {pipeline_mode = #tpu.pipeline_mode<synchronous>, transform_indices = @transform_10, window_bounds = array<i64: 1, 512>}, {pipeline_mode = #tpu.pipeline_mode<synchronous>, transform_indices = @transform_11, window_bounds = array<i64: 512, 128>}, {pipeline_mode = #tpu.pipeline_mode<synchronous>, transform_indices = @transform_12, window_bounds = array<i64: 1, 128>}, {pipeline_mode = #tpu.pipeline_mode<synchronous>, transform_indices = @transform_13, window_bounds = array<i64: 256, 128>}, {pipeline_mode = #tpu.pipeline_mode<synchronous>, transform_indices = @transform_14, window_bounds = array<i64: 256, 1>}, {transform_indices = @transform_15, window_bounds = array<i64: 1, 256, 128>}]} {
    %get3A = arith.constant 0 : index
    %get3A_0 = arith.constant 0 : index
    %get3A_1 = vector.load %arg3[%get3A, %get3A_0] : memref<2048x16xf32, #tpu.memory_space<vmem>>, vector<2048x16xf32>
    %get3A_2 = arith.constant 0 : index
    %get3A_3 = arith.constant 0 : index
    %get3A_4 = vector.load %arg5[%get3A_2, %get3A_3] : memref<128x16xf32, #tpu.memory_space<vmem>>, vector<128x16xf32>
    %get3A_5 = arith.constant 0 : index
    %get3A_6 = arith.constant 0 : index
    %get3A_7 = vector.load %arg7[%get3A_5, %get3A_6] : memref<16x128xf32, #tpu.memory_space<vmem>>, vector<16x128xf32>
    %get3A_8 = arith.constant 0 : index
    %get3A_9 = arith.constant 0 : index
    %get3A_10 = vector.load %arg8[%get3A_8, %get3A_9] : memref<1x128xf32, #tpu.memory_space<vmem>>, vector<1x128xf32>
    %get3A_11 = arith.constant 0 : index
    %get3A_12 = arith.constant 0 : index
    %get3A_13 = vector.load %arg9[%get3A_11, %get3A_12] : memref<128x128xf32, #tpu.memory_space<vmem>>, vector<128x128xf32>
    %get3A_14 = arith.constant 0 : index
    %get3A_15 = arith.constant 0 : index
    %get3A_16 = vector.load %arg10[%get3A_14, %get3A_15] : memref<1x128xf32, #tpu.memory_space<vmem>>, vector<1x128xf32>
    %broadcast_in_dim3A = vector.shape_cast %get3A_4 : vector<128x16xf32> to vector<128x1x16xf32>
    %broadcast_in_dim3A_17 = vector.shape_cast %broadcast_in_dim3A : vector<128x1x16xf32> to vector<128x1x16xf32>
    %broadcast_in_dim3A_18 = vector.broadcast %broadcast_in_dim3A_17 : vector<128x1x16xf32> to vector<128x16x16xf32>
    %reshape3A = vector.shape_cast %broadcast_in_dim3A_18 : vector<128x16x16xf32> to vector<2048x16xf32>
    %sub3A = arith.subf %reshape3A, %get3A_1 : vector<2048x16xf32>
    %convert_element_type3A = arith.truncf %sub3A : vector<2048x16xf32> to vector<2048x16xbf16>
    %convert_element_type3A_19 = arith.truncf %get3A_7 : vector<16x128xf32> to vector<16x128xbf16>
    %dot_general3A = arith.constant dense<0.000000e+00> : vector<2048x128xf32>
    %dot_general3A_20 = tpu.matmul %convert_element_type3A, %convert_element_type3A_19, %dot_general3A {dimension_numbers = #tpu.dot_dimension_numbers<[1], [0], [0], [1], [0, 0, 1, 1], [], []>, transpose_lhs_hint = false} : vector<2048x16xbf16>, vector<16x128xbf16>, vector<2048x128xf32> -> vector<2048x128xf32>
    %add3A = vector.broadcast %get3A_10 : vector<1x128xf32> to vector<2048x128xf32>
    %add3A_21 = arith.addf %dot_general3A_20, %add3A : vector<2048x128xf32>
    %max3A = arith.constant 0.000000e+00 : f32
    %max3A_22 = vector.broadcast %max3A : f32 to vector<2048x128xf32>
    %max3A_23 = arith.maximumf %add3A_21, %max3A_22 : vector<2048x128xf32>
    %convert_element_type3A_24 = arith.truncf %max3A_23 : vector<2048x128xf32> to vector<2048x128xbf16>
    %convert_element_type3A_25 = arith.truncf %get3A_13 : vector<128x128xf32> to vector<128x128xbf16>
    %dot_general3A_26 = arith.constant dense<0.000000e+00> : vector<2048x128xf32>
    %dot_general3A_27 = tpu.matmul %convert_element_type3A_24, %convert_element_type3A_25, %dot_general3A_26 {dimension_numbers = #tpu.dot_dimension_numbers<[1], [0], [0], [1], [0, 0, 1, 1], [], []>, transpose_lhs_hint = false} : vector<2048x128xbf16>, vector<128x128xbf16>, vector<2048x128xf32> -> vector<2048x128xf32>
    %add3A_28 = vector.broadcast %get3A_16 : vector<1x128xf32> to vector<2048x128xf32>
    %add3A_29 = arith.addf %dot_general3A_27, %add3A_28 : vector<2048x128xf32>
    %get3A_30 = arith.constant 0 : index
    %get3A_31 = arith.constant 0 : index
    %get3A_32 = vector.load %arg2[%get3A_30, %get3A_31] : memref<2048x128xi32, #tpu.memory_space<vmem>>, vector<2048x128xi32>
    %get3A_33 = arith.constant 0 : index
    %get3A_34 = arith.constant 0 : index
    %get3A_35 = vector.load %arg4[%get3A_33, %get3A_34] : memref<128x128xf32, #tpu.memory_space<vmem>>, vector<128x128xf32>
    %broadcast_in_dim3A_36 = vector.shape_cast %get3A_35 : vector<128x128xf32> to vector<128x1x128xf32>
    %broadcast_in_dim3A_37 = vector.shape_cast %broadcast_in_dim3A_36 : vector<128x1x128xf32> to vector<128x1x128xf32>
    %broadcast_in_dim3A_38 = vector.broadcast %broadcast_in_dim3A_37 : vector<128x1x128xf32> to vector<128x16x128xf32>
    %reshape3A_39 = vector.shape_cast %broadcast_in_dim3A_38 : vector<128x16x128xf32> to vector<2048x128xf32>
    %and3A = arith.constant -65536 : i32
    %and3A_40 = vector.broadcast %and3A : i32 to vector<2048x128xi32>
    %and3A_41 = arith.andi %get3A_32, %and3A_40 : vector<2048x128xi32>
    %bitcast_convert_type3A = tpu.bitcast %and3A_41 : vector<2048x128xi32> -> vector<2048x128xf32>
    %sub3A_42 = arith.subf %reshape3A_39, %bitcast_convert_type3A : vector<2048x128xf32>
    %add3A_43 = arith.addf %sub3A_42, %add3A_29 : vector<2048x128xf32>
    %shift_left3A = arith.constant 16 : i32
    %shift_left3A_44 = vector.broadcast %shift_left3A : i32 to vector<2048x128xi32>
    %shift_left3A_45 = arith.shli %get3A_32, %shift_left3A_44 : vector<2048x128xi32>
    %bitcast_convert_type3A_46 = tpu.bitcast %shift_left3A_45 : vector<2048x128xi32> -> vector<2048x128xf32>
    %add3A_47 = arith.addf %bitcast_convert_type3A_46, %add3A_29 : vector<2048x128xf32>
    %get3A_48 = arith.constant 0 : index
    %get3A_49 = arith.constant 0 : index
    %get3A_50 = vector.load %arg11[%get3A_48, %get3A_49] : memref<128x512xf32, #tpu.memory_space<vmem>>, vector<128x512xf32>
    %convert_element_type3A_51 = arith.truncf %add3A_43 : vector<2048x128xf32> to vector<2048x128xbf16>
    %convert_element_type3A_52 = arith.truncf %get3A_50 : vector<128x512xf32> to vector<128x512xbf16>
    %dot_general3A_53 = arith.constant dense<0.000000e+00> : vector<2048x512xf32>
    %dot_general3A_54 = tpu.matmul %convert_element_type3A_51, %convert_element_type3A_52, %dot_general3A_53 {dimension_numbers = #tpu.dot_dimension_numbers<[1], [0], [0], [1], [0, 0, 1, 1], [], []>, transpose_lhs_hint = false} : vector<2048x128xbf16>, vector<128x512xbf16>, vector<2048x512xf32> -> vector<2048x512xf32>
    %get3A_55 = arith.constant 0 : index
    %get3A_56 = arith.constant 0 : index
    %get3A_57 = vector.load %arg12[%get3A_55, %get3A_56] : memref<1x512xf32, #tpu.memory_space<vmem>>, vector<1x512xf32>
    %add3A_58 = vector.broadcast %get3A_57 : vector<1x512xf32> to vector<2048x512xf32>
    %add3A_59 = arith.addf %dot_general3A_54, %add3A_58 : vector<2048x512xf32>
    %max3A_60 = arith.constant 0.000000e+00 : f32
    %max3A_61 = vector.broadcast %max3A_60 : f32 to vector<2048x512xf32>
    %max3A_62 = arith.maximumf %add3A_59, %max3A_61 : vector<2048x512xf32>
    %get3A_63 = arith.constant 0 : index
    %get3A_64 = arith.constant 0 : index
    %get3A_65 = vector.load %arg13[%get3A_63, %get3A_64] : memref<512x128xf32, #tpu.memory_space<vmem>>, vector<512x128xf32>
    %convert_element_type3A_66 = arith.truncf %max3A_62 : vector<2048x512xf32> to vector<2048x512xbf16>
    %convert_element_type3A_67 = arith.truncf %get3A_65 : vector<512x128xf32> to vector<512x128xbf16>
    %dot_general3A_68 = arith.constant dense<0.000000e+00> : vector<2048x128xf32>
    %dot_general3A_69 = tpu.matmul %convert_element_type3A_66, %convert_element_type3A_67, %dot_general3A_68 {dimension_numbers = #tpu.dot_dimension_numbers<[1], [0], [0], [1], [0, 0, 1, 1], [], []>, transpose_lhs_hint = false} : vector<2048x512xbf16>, vector<512x128xbf16>, vector<2048x128xf32> -> vector<2048x128xf32>
    %get3A_70 = arith.constant 0 : index
    %get3A_71 = arith.constant 0 : index
    %get3A_72 = vector.load %arg14[%get3A_70, %get3A_71] : memref<1x128xf32, #tpu.memory_space<vmem>>, vector<1x128xf32>
    %add3A_73 = vector.broadcast %get3A_72 : vector<1x128xf32> to vector<2048x128xf32>
    %add3A_74 = arith.addf %dot_general3A_69, %add3A_73 : vector<2048x128xf32>
    %exp3A = math.exp %add3A_74 : vector<2048x128xf32>
    %reshape3A_75 = vector.shape_cast %exp3A : vector<2048x128xf32> to vector<128x16x128xf32>
    %reduce_sum3A = arith.constant dense<0.000000e+00> : vector<128x128xf32>
    %reduce_sum3A_76 = vector.multi_reduction <add>, %reshape3A_75, %reduce_sum3A [1] : vector<128x16x128xf32> to vector<128x128xf32>
    %div3A = arith.constant 1.000000e+00 : f32
    %div3A_77 = vector.broadcast %div3A : f32 to vector<128x128xf32>
    %div3A_78 = arith.divf %div3A_77, %reduce_sum3A_76 : vector<128x128xf32>
    %broadcast_in_dim3A_79 = vector.shape_cast %div3A_78 : vector<128x128xf32> to vector<128x1x128xf32>
    %broadcast_in_dim3A_80 = vector.shape_cast %broadcast_in_dim3A_79 : vector<128x1x128xf32> to vector<128x1x128xf32>
    %broadcast_in_dim3A_81 = vector.broadcast %broadcast_in_dim3A_80 : vector<128x1x128xf32> to vector<128x16x128xf32>
    %reshape3A_82 = vector.shape_cast %broadcast_in_dim3A_81 : vector<128x16x128xf32> to vector<2048x128xf32>
    %mul3A = arith.mulf %exp3A, %reshape3A_82 : vector<2048x128xf32>
    %mul3A_83 = arith.mulf %mul3A, %add3A_47 : vector<2048x128xf32>
    %reshape3A_84 = vector.shape_cast %mul3A_83 : vector<2048x128xf32> to vector<128x16x128xf32>
    %reduce_sum3A_85 = arith.constant dense<0.000000e+00> : vector<128x128xf32>
    %reduce_sum3A_86 = vector.multi_reduction <add>, %reshape3A_84, %reduce_sum3A_85 [1] : vector<128x16x128xf32> to vector<128x128xf32>
    %get3A_87 = arith.constant 0 : index
    %get3A_88 = arith.constant 0 : index
    %get3A_89 = vector.load %arg15[%get3A_87, %get3A_88] : memref<256x128xf32, #tpu.memory_space<vmem>>, vector<256x128xf32>
    %convert_element_type3A_90 = arith.truncf %get3A_89 : vector<256x128xf32> to vector<256x128xbf16>
    %convert_element_type3A_91 = arith.truncf %reduce_sum3A_86 : vector<128x128xf32> to vector<128x128xbf16>
    %dot_general3A_92 = arith.constant dense<0.000000e+00> : vector<256x128xf32>
    %dot_general3A_93 = tpu.matmul %convert_element_type3A_90, %convert_element_type3A_91, %dot_general3A_92 {dimension_numbers = #tpu.dot_dimension_numbers<[1], [1], [0], [0], [0, 0, 1, 0], [], []>, transpose_lhs_hint = false} : vector<256x128xbf16>, vector<128x128xbf16>, vector<256x128xf32> -> vector<256x128xf32>
    %get3A_94 = arith.constant 0 : index
    %get3A_95 = arith.constant 0 : index
    %get3A_96 = vector.load %arg16[%get3A_94, %get3A_95] : memref<256x1xf32, #tpu.memory_space<vmem>>, vector<256x1xf32>
    %add3A_97 = vector.broadcast %get3A_96 : vector<256x1xf32> to vector<256x128xf32>
    %add3A_98 = arith.addf %dot_general3A_93, %add3A_97 : vector<256x128xf32>
    %get3A_99 = arith.constant 0 : index
    %get3A_100 = arith.constant 0 : index
    %get3A_101 = arith.constant 0 : index
    %get3A_102 = vector.load %arg6[%get3A_99, %get3A_100, %get3A_101] : memref<1x256x128xf32, #tpu.memory_space<vmem>>, vector<1x256x128xf32>
    %get3A_103 = vector.shape_cast %get3A_102 : vector<1x256x128xf32> to vector<256x128xf32>
    %add3A_104 = arith.addf %add3A_98, %get3A_103 : vector<256x128xf32>
    %swap3A = arith.constant 0 : index
    %swap3A_105 = arith.constant 0 : index
    %swap3A_106 = arith.constant 0 : index
    %swap3A_107 = vector.load %arg17[%swap3A, %swap3A_105, %swap3A_106] : memref<1x256x128xf32, #tpu.memory_space<vmem>>, vector<1x256x128xf32>
    %swap3A_108 = vector.shape_cast %swap3A_107 : vector<1x256x128xf32> to vector<256x128xf32>
    %swap3A_109 = vector.shape_cast %add3A_104 : vector<256x128xf32> to vector<1x256x128xf32>
    tpu.vector_store %arg17[%swap3A, %swap3A_105, %swap3A_106], %swap3A_109 {strides = array<i32>} : memref<1x256x128xf32, #tpu.memory_space<vmem>>, vector<1x256x128xf32>,
    return
  }
  func.func @transform_0(%arg0: i32, %arg1: i32) -> (i32, i32) {
    %mul3A = arith.constant 16 : i32
    %mul3A_0 = arith.muli %arg0, %mul3A : i32
    %add3A = arith.addi %mul3A_0, %arg1 : i32
    %c0_i32 = arith.constant 0 : i32
    %c0_i32_1 = arith.constant 0 : i32
    return %add3A, %c0_i32 : i32, i32
  }
  func.func @transform_1(%arg0: i32, %arg1: i32) -> (i32, i32) {
    %mul3A = arith.constant 16 : i32
    %mul3A_0 = arith.muli %arg0, %mul3A : i32
    %add3A = arith.addi %mul3A_0, %arg1 : i32
    %c0_i32 = arith.constant 0 : i32
    %c0_i32_1 = arith.constant 0 : i32
    return %add3A, %c0_i32 : i32, i32
  }
  func.func @transform_2(%arg0: i32, %arg1: i32) -> (i32, i32) {
    %mul3A = arith.constant 16 : i32
    %mul3A_0 = arith.muli %arg0, %mul3A : i32
    %add3A = arith.addi %mul3A_0, %arg1 : i32
    %c0_i32 = arith.constant 0 : i32
    %c0_i32_1 = arith.constant 0 : i32
    return %add3A, %c0_i32 : i32, i32
  }
  func.func @transform_3(%arg0: i32, %arg1: i32) -> (i32, i32) {
    %mul3A = arith.constant 16 : i32
    %mul3A_0 = arith.muli %arg0, %mul3A : i32
    %add3A = arith.addi %mul3A_0, %arg1 : i32
    %c0_i32 = arith.constant 0 : i32
    %c0_i32_1 = arith.constant 0 : i32
    return %add3A, %c0_i32 : i32, i32
  }
  func.func @transform_4(%arg0: i32, %arg1: i32) -> (i32, i32, i32) {
    %c0_i32 = arith.constant 0 : i32
    %c0_i32_0 = arith.constant 0 : i32
    return %arg0, %c0_i32, %arg1 : i32, i32, i32
  }
  func.func @transform_5(%arg0: i32, %arg1: i32) -> (i32, i32) {
    %c0_i32 = arith.constant 0 : i32
    %c0_i32_0 = arith.constant 0 : i32
    %c0_i32_1 = arith.constant 0 : i32
    return %c0_i32, %c0_i32_0 : i32, i32
  }
  func.func @transform_6(%arg0: i32, %arg1: i32) -> (i32, i32) {
    %c0_i32 = arith.constant 0 : i32
    %c0_i32_0 = arith.constant 0 : i32
    %c0_i32_1 = arith.constant 0 : i32
    return %c0_i32, %c0_i32_0 : i32, i32
  }
  func.func @transform_7(%arg0: i32, %arg1: i32) -> (i32, i32) {
    %c0_i32 = arith.constant 0 : i32
    %c0_i32_0 = arith.constant 0 : i32
    %c0_i32_1 = arith.constant 0 : i32
    return %c0_i32, %c0_i32_0 : i32, i32
  }
  func.func @transform_8(%arg0: i32, %arg1: i32) -> (i32, i32) {
    %c0_i32 = arith.constant 0 : i32
    %c0_i32_0 = arith.constant 0 : i32
    %c0_i32_1 = arith.constant 0 : i32
    return %c0_i32, %c0_i32_0 : i32, i32
  }
  func.func @transform_9(%arg0: i32, %arg1: i32) -> (i32, i32) {
    %c0_i32 = arith.constant 0 : i32
    %c0_i32_0 = arith.constant 0 : i32
    %c0_i32_1 = arith.constant 0 : i32
    return %c0_i32, %c0_i32_0 : i32, i32
  }
  func.func @transform_10(%arg0: i32, %arg1: i32) -> (i32, i32) {
    %c0_i32 = arith.constant 0 : i32
    %c0_i32_0 = arith.constant 0 : i32
    %c0_i32_1 = arith.constant 0 : i32
    return %c0_i32, %c0_i32_0 : i32, i32
  }
  func.func @transform_11(%arg0: i32, %arg1: i32) -> (i32, i32) {
    %c0_i32 = arith.constant 0 : i32
    %c0_i32_0 = arith.constant 0 : i32
    %c0_i32_1 = arith.constant 0 : i32
    return %c0_i32, %c0_i32_0 : i32, i32
  }
  func.func @transform_12(%arg0: i32, %arg1: i32) -> (i32, i32) {
    %c0_i32 = arith.constant 0 : i32
    %c0_i32_0 = arith.constant 0 : i32
    %c0_i32_1 = arith.constant 0 : i32
    return %c0_i32, %c0_i32_0 : i32, i32
  }
  func.func @transform_13(%arg0: i32, %arg1: i32) -> (i32, i32) {
    %c0_i32 = arith.constant 0 : i32
    %c0_i32_0 = arith.constant 0 : i32
    %c0_i32_1 = arith.constant 0 : i32
    return %c0_i32, %c0_i32_0 : i32, i32
  }
  func.func @transform_14(%arg0: i32, %arg1: i32) -> (i32, i32) {
    %c0_i32 = arith.constant 0 : i32
    %c0_i32_0 = arith.constant 0 : i32
    %c0_i32_1 = arith.constant 0 : i32
    return %c0_i32, %c0_i32_0 : i32, i32
  }
  func.func @transform_15(%arg0: i32, %arg1: i32) -> (i32, i32, i32) {
    %c0_i32 = arith.constant 0 : i32
    %c0_i32_0 = arith.constant 0 : i32
    return %arg0, %c0_i32, %arg1 : i32, i32, i32
  }
}

</mosaic_0001>

<sc_bundles>
// kernel: kernel.7.cloned.1.call-start
scs
__scs_entry_jumppad:
0x0: {  	(pc) =	sbr.rel $0x88, $3  }
0x1: {  	(tag) =	ssettag $0x0;
	lr =	simm.s32 $0x1  }
0x2: {  	[smem:$0x3F89] =	sst lr;
	_ =	strace $0xD0000000  }
0x3: {  	_ = 	snop  }
0x4: {  	_ = 	snop  }
0x5: {  	_ = 	snop  }
0x6: {  	_ = 	snop  }
0x7: {  	_ = 	snop  }
__scs_overlays_trampoline_lowered:
0x8: {  	[smem:$0x3F98] =	sst s0  }
0x9: {  	[smem:$0x3F99] =	sst s1  }
0xa: {  	[smem:$0x3F9A] =	sst s2  }
0xb: {  	[smem:$0x3F9B] =	sst s3  }
0xc: {  	[smem:$0x3F9C] =	sst s4  }
0xd: {  	[smem:$0x3F9D] =	sst s5  }
0xe: {  	[smem:$0x3F9E] =	sst s6  }
0xf: {  	[smem:$0x3F9F] =	sst s7  }
0x10: {  	[smem:$0x3FA0] =	sst s8  }
0x11: {  	[smem:$0x3FA1] =	sst s9;
	s0 =	simm.s32 @!p0 $0x0  }
0x12: {  	s1 =	sld [smem:$0x3F87];
	s0 =	simm.s32 @p0 $0x1  }
0x13: {  	[smem:$0x3FA2] =	sst s0;
	s0 =	simm.s32 @!p1 $0x0  }
0x14: {  	s2 =	sld [smem:$0x3F86];
	s0 =	simm.s32 @p1 $0x1  }
0x15: {  	[smem:$0x3FA3] =	sst s0;
	s0 =	simm.s32 @!p2 $0x0  }
0x16: {  	s3 =	sld [smem:$0x3FDB];
	s0 =	simm.s32 @p2 $0x1  }
0x17: {  	s4 =	simm.s32 $0x1BF5;
	[smem:$0x3FA5] =	sst s0  }
0x18: {  	s0 =	sld [smem:$0x3F88];
	_ =	swait.ge [sflag:s4], $0x0  }
0x19: {  	s7 =	sld [smem:$0x3F89]  }
0x1a: {  	s8 =	sadd.s32 $0xFFFFE003, lr  }
0x1b: {  	s9 =	sadd.s32 $0xFFFFFEF7, lr;
	s5 =	simm.s32 $0xFFFFFFFF;
	p2 =	slt.u32 s8, $0xFFFFF086  }
0x1c: {  	p1 =	slt.u32 s9, $0xF7A;
	s5 =	simm.s32 @!p2 $0x0  }
0x1d: {  	s5 =	simm.s32 @p1 $0x1;
	p0 =	seq.s32 s7, s2  }
0x1e: {  	s7 =	smul.u32 @!p0 $0xF7A, s2;
	p2 =	seq.s32 @!p0 s5, $0x0  }
0x1f: {  	s9 =	smul.u32 $0xF7A, s1;
	s8 =	simm.s32 @!p0 $0x1BF5;
	p2 =	por !p2, p0  }
0x20: {  	[sflag:s8] =	ssyncset.s32 @!p0 $0xFFFFF086;
	s6 =	sadd.s32 @!p0 s3, s7;
	s7 =	simm.s32 @!p0 $0x108  }
0x21: {  	s3 =	sadd.s32 s3, s9;
	s6 =	sadd.s32 @!p0 $0x88, s6;
	s7 =	simm.s32 @p2 $0x1082  }
0x22: {  	[simem:s7], [sflag:s8] =	dma.local @!p0 [hbm:s6], $0xF7A  }
0x23: {  	s9 =	sor.u32 $0xD0000000, s2;
	s6 =	simm.s32 $0x108;
	_ =	swait.ge @!p0 [sflag:s8], $0x0  }
0x24: {  	s3 =	sadd.s32 $0x88, s3;
	s6 =	simm.s32 @!p1 $0x1082;
	[sflag:s4] =	ssyncset.s32 $0xFFFFF086  }
0x25: {  	[simem:s6], [sflag:s4] =	dma.local [hbm:s3], $0xF7A  }
0x26: {  	[smem:$0x3F89] =	sst s1;
	(tag) =	ssettag s2;
	_ =	strace s9  }
0x27: {  	s1 =	sld [smem:$0x3F99]  }
0x28: {  	s2 =	sld [smem:$0x3F9A]  }
0x29: {  	s4 =	sld [smem:$0x3F9C]  }
0x2a: {  	p0 =	seq.s32 s5, $0x0;
	s5 =	sld [smem:$0x3F9D]  }
0x2b: {  	s6 =	sld [smem:$0x3F9E]  }
0x2c: {  	s7 =	sld [smem:$0x3F9F]  }
0x2d: {  	s3 =	simm.s32 $0x108;
	s8 =	sld [smem:$0x3FA0]  }
0x2e: {  	s3 =	simm.s32 @!p0 $0x1082;
	s9 =	sld [smem:$0x3FA1]  }
0x2f: {  	lr =	sadd.s32 s0, s3;
	s0 =	sld [smem:$0x3F98]  }
0x30: {  	s3 =	sld [smem:$0x3F9B]  }
0x31: {  	[smem:$0x3FA4] =	sst s10  }
0x32: {  	s10 =	sld [smem:$0x3FA2];
	_ =	sdelay $0x3  }
0x33: {  	p0 =	seq.s32 s10, $0x1;
	s10 =	sld [smem:$0x3FA4];
	_ =	sdelay $0x3  }
0x34: {  	[smem:$0x3FA4] =	sst s10  }
0x35: {  	s10 =	sld [smem:$0x3FA3];
	_ =	sdelay $0x3  }
0x36: {  	p1 =	seq.s32 s10, $0x1;
	s10 =	sld [smem:$0x3FA4];
	_ =	sdelay $0x3  }
0x37: {  	[smem:$0x3FA4] =	sst s10  }
0x38: {  	s10 =	sld [smem:$0x3FA5]  }
0x39: {  	_ = 	snop;
	(pc) =	sbr.ind lr, $3  }
0x3a: {  	_ = 	snop  }
0x3b: {  	_ = 	snop  }
0x3c: {  	p2 =	seq.s32 s10, $0x1;
	s10 =	sld [smem:$0x3FA4]  }
0x3d: {  	_ =	shalt  }
0x3e: {  	_ =	shalt  }
0x3f: {  	_ =	shalt  }
0x40: {  	_ =	shalt  }
0x41: {  	_ =	shalt  }
0x42: {  	_ =	shalt  }
0x43: {  	_ =	shalt  }
0x44: {  	_ =	shalt  }
0x45: {  	_ =	shalt  }
0x46: {  	_ =	shalt  }
0x47: {  	_ =	shalt  }
0x48: {  	_ =	shalt  }
0x49: {  	_ =	shalt  }
0x4a: {  	_ =	shalt  }
0x4b: {  	_ =	shalt  }
0x4c: {  	_ =	shalt  }
0x4d: {  	_ =	shalt  }
0x4e: {  	_ =	shalt  }
0x4f: {  	_ =	shalt  }
0x50: {  	_ =	shalt  }
0x51: {  	_ =	shalt  }
0x52: {  	_ =	shalt  }
0x53: {  	_ =	shalt  }
0x54: {  	_ =	shalt  }
0x55: {  	_ =	shalt  }
0x56: {  	_ =	shalt  }
0x57: {  	_ =	shalt  }
0x58: {  	_ =	shalt  }
0x59: {  	_ =	shalt  }
0x5a: {  	_ =	shalt  }
0x5b: {  	_ =	shalt  }
0x5c: {  	_ =	shalt  }
0x5d: {  	_ =	shalt  }
0x5e: {  	_ =	shalt  }
0x5f: {  	_ =	shalt  }
0x60: {  	_ =	shalt  }
0x61: {  	_ =	shalt  }
0x62: {  	_ =	shalt  }
0x63: {  	_ =	shalt  }
0x64: {  	_ =	shalt  }
0x65: {  	_ =	shalt  }
0x66: {  	_ =	shalt  }
0x67: {  	_ =	shalt  }
0x68: {  	_ =	shalt  }
0x69: {  	_ =	shalt  }
0x6a: {  	_ =	shalt  }
0x6b: {  	_ =	shalt  }
0x6c: {  	_ =	shalt  }
0x6d: {  	_ =	shalt  }
0x6e: {  	_ =	shalt  }
0x6f: {  	_ =	shalt  }
0x70: {  	_ =	shalt  }
0x71: {  	_ =	shalt  }
0x72: {  	_ =	shalt  }
0x73: {  	_ =	shalt  }
0x74: {  	_ =	shalt  }
0x75: {  	_ =	shalt  }
0x76: {  	_ =	shalt  }
0x77: {  	_ =	shalt  }
0x78: {  	_ =	shalt  }
0x79: {  	_ =	shalt  }
0x7a: {  	_ =	shalt  }
0x7b: {  	_ =	shalt  }
0x7c: {  	_ =	shalt  }
0x7d: {  	_ =	shalt  }
0x7e: {  	_ =	shalt  }
0x7f: {  	_ =	shalt  }
0x80: {  	_ =	shalt  }
0x81: {  	_ =	shalt  }
0x82: {  	_ =	shalt  }
0x83: {  	_ =	shalt  }
0x84: {  	_ =	shalt  }
0x85: {  	_ =	shalt  }
0x86: {  	_ =	shalt  }
0x87: {  	_ =	shalt  }
.Lfunc_end0:
.L_simem_size_0:
called_computation_lowered:
.L_overlay_start_0:
0x88: {  	s2 =	sld [smem:$0x3FD9]  }
0x89: {  	s3 =	sld [smem:$0x3FFE];
	_ =	sdelay $0x1  }
0x8a: {  	s1 =	srdreg.scid  }
0x8b: {  	s0 =	sand.u32 $0x1, s1  }
0x8c: {  	s17 =	sshll.u32 s0, $0xA;
	s2 =	sadd.s32 s3, s2  }
0x8d: {  	s2 =	sadd.s32 s2, s17  }
0x8e: {  	[smem:$0x3FB0] =	sst s2  }
0x8f: {  	_ = 	snop  }
0x90: {  	s2 =	sld [smem:$0x3FD0];
	(tm) =	ssettm $0x1  }
0x91: {  	s18 =	sld [smem:$0x3FFB];
	_ =	sdelay $0x3  }
0x92: {  	_ =	strace s18  }
0x93: {  	s3 =	sld [smem:$0x3FFC];
	_ =	sdelay $0x3  }
0x94: {  	_ =	strace s3  }
0x95: {  	s3 =	sld [smem:$0x3FFD];
	_ =	sdelay $0x3  }
0x96: {  	_ =	strace s3  }
0x97: {  	_ =	strace $0x8FFFFFFF  }
0x98: {  	s19 =	sld [smem:$0x3FDB];
	_ =	sdelay $0x1  }
0x99: {  	s4 =	simm.s32 $_scs_section_size  }
0x9a: {  	s5 =	simm.s32 $_size__tile_overlayer_lowered;
	s6 =	simm.s32 $_tile_overlayer_lowered  }
0x9b: {  	s22 =	simm.s32 $0x1BFF;
	s21 =	sshll.u32 s6, $0x1;
	s3 =	sadd.s32 s4, s19  }
0x9c: {  	s7 =	simm.s32 $0x0;
	s20 =	sshll.u32 s5, $0x1;
	s5 =	sadd.s32 s21, s3  }
0x9d: {  	[timem:s7], [sflag:s22] =	dma.local [hbm:s5], s20  }
0x9e: {  	_ =	swait.ge [sflag:s22], s20  }
0x9f: {  	s4 =	ssub.s32 $0x0, s20;
	[sflag:s22] =	ssyncset.done $0x0  }
0xa0: {  	[sflag:s22] =	ssyncadd.s32 s4;
	_ =	sdelay $0x1  }
0xa1: {  	s23 =	simm.s32 $0x1B8B  }
0xa2: {  	_ =	swait.ge [sflag:s23], $0x1  }
0xa3: {  	[sflag:s23] =	ssyncset.done $0x0  }
0xa4: {  	s25 =	simm.s32 $0x1B8E;
	s24 =	sld [smem:$0x3FFE];
	[sflag:s23] =	ssyncadd.s32 $0xFFFFFFFF  }
0xa5: {  	s26 =	simm.s32 $execute0_lowered;
	[smem:$0x3FD2] =	sst s25  }
0xa6: {  	s5 =	sshll.u32 s26, $0x1;
	_ =	strace $0x80000046;
	[dreg:$0x1] =	wrdreg $0xFFFFFFFF  }
0xa7: {  	s28 =	simm.s32 $_size_execute0_lowered;
	s3 =	sadd.s32 s3, s5;
	[dreg:$0x0] =	wrdreg $0x0  }
0xa8: {  	s5 =	sshll.u32 s28, $0x1;
	[dreg:$0x2] =	wrdreg s3  }
0xa9: {  	[dreg:$0x3] =	wrdreg s5  }
0xaa: {  	[dreg:$0x4] =	wrdreg $0xC0  }
0xab: {  	_ =	task [dreg:s7], $0x5FFFF  }
0xac: {  	[dreg:$0x1] =	wrdreg $0xFFFFFFFF  }
0xad: {  	[dreg:$0x0] =	wrdreg $0x60  }
0xae: {  	[dreg:$0x2] =	wrdreg s24  }
0xaf: {  	[dreg:$0x3] =	wrdreg s2  }
0xb0: {  	[dreg:$0x4] =	wrdreg $0x9  }
0xb1: {  	_ =	task.clear_ibuf [dreg:s7], $0x5FFFF;
	_ =	strace $0x90000046  }
0xb2: {  	s29 =	simm.s32 $0x9;
	_ =	strace $0x80000048  }
0xb3: {  	_ =	swait.ge [sflag:s29], $0x1  }
0xb4: {  	[sflag:s29] =	ssyncadd.s32 $0xFFFFFFFF  }
0xb5: {  	_ =	strace $0x90000048  }
0xb6: {  	_ =	sfence  }
0xb7: {  	s30 =	sld [smem:$0x0];
	_ =	sdelay $0x2  }
0xb8: {  	s31 =	sshll.u32 s1, $0xD;
	s1 =	sshrl.u32 s1, $0x2  }
0xb9: {  	s3 =	sand.u32 $0x4000, s31;
	s1 =	sadd.s32 s1, s30  }
0xba: {  	s0 =	sor.u32 s3, s0;
	s1 =	sshll.u32 s1, $0x11  }
0xbb: {  	s0 =	sor.u32 s1, s0  }
0xbc: {  	s0 =	sadd.s32 $0x8F2B, s0  }
0xbd: {  	[sflag:s0] =	ssyncadd.remote.s32 $0x1  }
0xbe: {  	_ =	sfence.sel $0xFFFF  }
0xbf: {  	[dreg:$0x0] =	wrdreg $0xFFFFFFFF;
	(pc) =	sbr.abs _section_cstart, $3  }
0xc0: {  	[dreg:$0x1] =	wrdreg $0xFFFFFFFF  }
0xc1: {  	_ =	task.clear_ibuf [dreg:s7], $0x2FFFF;
	_ =	strace $0x9FFFFFFF  }
0xc2: {  	(tm) =	ssettm $0x7FFFFFFF  }
0xc3: {  	_ =	shalt  }
tec
execute0_lowered:
.L_overlay_start_1:
0x0: {  	(tag) =	ssettag $0x1  }
0x1: {  	s5 =	rddreg [dreg:$0x0]  }
0x2: {  	s6 =	rddreg [dreg:$0x1]  }
0x3: {  	s0 =	rddreg [dreg:$0x2]  }
0x4: {  	s2 =	simm.s32 $0x0;
	s3 =	srdreg.scid;
	s1 =	stileid.u32  }
0x5: {  	s12 =	simm.s32 $0x1;
	s13 =	simm.s32 $0x2;
	s14 =	simm.s32 $0x0  }
0x6: {  	[smem:$0x7FF] =	sst s2;
	s7 =	sand.u32 $0x1, s3;
	s3 =	sadd.s32 $0x4200, s5  }
0x7: {  	s8 =	sshll.u32 s1, $0xD;
	s4 =	sadd.s32 $0x44200, s5;
	s10 =	sshll.u32 s1, $0x11  }
0x8: {  	s29 =	sshll.u32 s1, $0xE;
	_ =	strace $0x80000047;
	s9 =	sshll.u32 s7, $0xC  }
0x9: {  	s26 =	ssub.s32 $0x2, s7;
	s10 =	sadd.s32 s10, s5;
	s30 =	sshll.u32 s7, $0x10  }
0xa: {  	s6 =	sadd.s32 s29, s6;
	s7 =	sshll.u32 s7, $0xD;
	s8 =	sor.u32 s9, s8  }
0xb: {  	s11 =	sshrl.u32 s26, $0x1;
	s31 =	sadd.s32 s30, s10;
	s6 =	sadd.s32 s7, s6  }
0xc: {  	s9 =	simm.s32 $0x3;
	s10 =	simm.s32 $0x200;
	s8 =	sshrl.u32 s8, $0x3  }
0xd: {  	s28 =	ssub.s32 s26, s11;
	s7 =	sadd.s32 $0x4C200, s31;
	s8 =	sadd.s32 s8, s5  }
0xe: {  	s11 =	simm.s32 $0x10200;
	s5 =	smax.u32 s28, $0x1;
	s8 =	sadd.s32 $0x48200, s8  }
.LBB2_1:
0xf: {  	s15 =	sadd.s32 $0x0, s8  }
0x10: {  	[tilespmem:s2], [sflag:$0x3] =	stream.linear.gather [hbm4b:s15+s2], $0x200, $0x38;
	[tilespmem:$0x12200] =	vst v63  }
0x11: {  	_ =	swait.ge [sflag:s9], $0x200  }
0x12: {  	[sflag:s9] =	ssyncset.done $0x0  }
0x13: {  	[sflag:s9] =	ssyncadd.s32 $0xFFFFFE00  }
0x14: {  	[tilespmem:s10], [sflag:$0x1] =	stream.indirect.gather [hbm4b:s3+s10], $0x80, s2, s10, $0xb8;
	[tilespmem:$0x12200] =	vst v63  }
0x15: {  	_ = 	snop  }
0x16: {  	[tilespmem:s11], [sflag:$0x2] =	stream.indirect.gather [hbm4b:s4+s10], $0x10, s2, s10, $0xb8;
	[tilespmem:$0x12200] =	vst v63  }
0x17: {  	_ =	swait.ge [sflag:s12], $0x10000  }
0x18: {  	[sflag:s12] =	ssyncset.done $0x0  }
0x19: {  	[sflag:s12] =	ssyncadd.s32 $0xFFFF0000  }
0x1a: {  	_ =	swait.ge [sflag:s13], $0x2000  }
0x1b: {  	[sflag:s13] =	ssyncset.done $0x0  }
0x1c: {  	[sflag:s13] =	ssyncadd.s32 $0xFFFFE000  }
0x1d: {  	[hbm4b:s7+s2] =	stream.linear.scatter [tilespmem:s10], [sflag:$0x3], $0x10000, $0x38;
	[tilespmem:$0x12200] =	vst v63  }
0x1e: {  	_ =	swait.ge [sflag:s9], $0x10000  }
0x1f: {  	[sflag:s9] =	ssyncset.done $0x0  }
0x20: {  	[sflag:s9] =	ssyncadd.s32 $0xFFFF0000  }
0x21: {  	[hbm4b:s6+s2] =	stream.linear.scatter [tilespmem:s11], [sflag:$0x3], $0x2000, $0x38;
	[tilespmem:$0x12200] =	vst v63  }
0x22: {  	s17 =	simm.s32 $0x40;
	s18 =	simm.s32 $0x80;
	_ =	swait.ge [sflag:s9], $0x2000  }
0x23: {  	s16 =	sadd.s32 $0x2000, s7;
	s15 =	sadd.s32 $0x400, s6;
	[sflag:s9] =	ssyncset.done $0x0  }
.LBB2_2:
0x24: {  	s19 =	sadd.s32 s17, s8  }
0x25: {  	[sflag:s9] =	ssyncadd.s32 $0xFFFFE000;
	s17 =	smov.u32 s18;
	s20 =	sadd.s32 $0x40, s18  }
0x26: {  	[tilespmem:s2], [sflag:$0x3] =	stream.linear.gather [hbm4b:s19+s2], $0x200, $0x38;
	[tilespmem:$0x12200] =	vst v63  }
0x27: {  	p0 =	sne.s32 s18, $0x1C0;
	_ =	swait.ge [sflag:s9], $0x200  }
0x28: {  	[sflag:s9] =	ssyncset.done $0x0  }
0x29: {  	[sflag:s9] =	ssyncadd.s32 $0xFFFFFE00  }
0x2a: {  	[tilespmem:s10], [sflag:$0x1] =	stream.indirect.gather [hbm4b:s3+s10], $0x80, s2, s10, $0xb8;
	[tilespmem:$0x12200] =	vst v63  }
0x2b: {  	_ = 	snop  }
0x2c: {  	[tilespmem:s11], [sflag:$0x2] =	stream.indirect.gather [hbm4b:s4+s10], $0x10, s2, s10, $0xb8;
	[tilespmem:$0x12200] =	vst v63  }
0x2d: {  	_ =	swait.ge [sflag:s12], $0x10000  }
0x2e: {  	[sflag:s12] =	ssyncset.done $0x0  }
0x2f: {  	[sflag:s12] =	ssyncadd.s32 $0xFFFF0000  }
0x30: {  	_ =	swait.ge [sflag:s13], $0x2000  }
0x31: {  	[sflag:s13] =	ssyncset.done $0x0  }
0x32: {  	[sflag:s13] =	ssyncadd.s32 $0xFFFFE000  }
0x33: {  	[hbm4b:s16+s2] =	stream.linear.scatter [tilespmem:s10], [sflag:$0x3], $0x10000, $0x38;
	[tilespmem:$0x12200] =	vst v63  }
0x34: {  	_ =	swait.ge [sflag:s9], $0x10000  }
.Ltmp0:
0x35: {  	[sflag:s9] =	ssyncset.done $0x0;
	(pc) =	sbr.rel @p0 .LBB2_2-.Ltmp0, $4  }
0x36: {  	[sflag:s9] =	ssyncadd.s32 $0xFFFF0000  }
0x37: {  	[hbm4b:s15+s2] =	stream.linear.scatter [tilespmem:s11], [sflag:$0x3], $0x2000, $0x38;
	[tilespmem:$0x12200] =	vst v63  }
0x38: {  	s18 =	smov.u32 s20;
	_ =	swait.ge [sflag:s9], $0x2000  }
0x39: {  	s16 =	sadd.s32 $0x2000, s16;
	s15 =	sadd.s32 $0x400, s15;
	[sflag:s9] =	ssyncset.done $0x0  }
0x3a: {  	s17 =	sadd.s32 s17, s8;
	[sflag:s9] =	ssyncadd.s32 $0xFFFFE000  }
0x3b: {  	[tilespmem:s2], [sflag:$0x3] =	stream.linear.gather [hbm4b:s17+s2], $0x200, $0x38;
	[tilespmem:$0x12200] =	vst v63  }
0x3c: {  	_ =	swait.ge [sflag:s9], $0x200  }
0x3d: {  	[sflag:s9] =	ssyncset.done $0x0  }
0x3e: {  	[sflag:s9] =	ssyncadd.s32 $0xFFFFFE00  }
0x3f: {  	[tilespmem:s10], [sflag:$0x1] =	stream.indirect.gather [hbm4b:s3+s10], $0x80, s2, s10, $0xb8;
	[tilespmem:$0x12200] =	vst v63  }
0x40: {  	_ = 	snop  }
0x41: {  	[tilespmem:s11], [sflag:$0x2] =	stream.indirect.gather [hbm4b:s4+s10], $0x10, s2, s10, $0xb8;
	[tilespmem:$0x12200] =	vst v63  }
0x42: {  	_ =	swait.ge [sflag:s12], $0x10000  }
0x43: {  	[sflag:s12] =	ssyncset.done $0x0  }
0x44: {  	[sflag:s12] =	ssyncadd.s32 $0xFFFF0000  }
0x45: {  	_ =	swait.ge [sflag:s13], $0x2000  }
0x46: {  	[sflag:s13] =	ssyncset.done $0x0  }
0x47: {  	[sflag:s13] =	ssyncadd.s32 $0xFFFFE000  }
0x48: {  	[hbm4b:s16+s2] =	stream.linear.scatter [tilespmem:s10], [sflag:$0x3], $0x10000, $0x38;
	[tilespmem:$0x12200] =	vst v63  }
0x49: {  	s14 =	sadd.s32 $0x1, s14;
	_ =	swait.ge [sflag:s9], $0x10000  }
0x4a: {  	p0 =	sne.s32 s14, s5;
	[sflag:s9] =	ssyncset.done $0x0  }
.Ltmp1:
0x4b: {  	[sflag:s9] =	ssyncadd.s32 $0xFFFF0000;
	(pc) =	sbr.rel @p0 .LBB2_1-.Ltmp1, $4  }
0x4c: {  	[hbm4b:s15+s2] =	stream.linear.scatter [tilespmem:s11], [sflag:$0x3], $0x2000, $0x38;
	[tilespmem:$0x12200] =	vst v63  }
0x4d: {  	_ =	swait.ge [sflag:s9], $0x2000  }
0x4e: {  	[sflag:s9] =	ssyncset.done $0x0  }
0x4f: {  	[sflag:s9] =	ssyncadd.s32 $0xFFFFE000  }
0x50: {  	_ =	sfence.sel $0x180000  }
0x51: {  	[bflag:$0x0] =	sbarrier.arrive $0xFFFF  }
0x52: {  	p0 =	sne.s32 s1, $0x0;
	_ =	strace $0x90000047  }
0x53: {  	s0 =	sadd.s32 @!p0 $0x100000, s0;
	[bflag:$0x2] =	sbarrier.arrive $0xFFFF  }
0x54: {  	[sflag:s0] =	ssyncadd.tile.s32 @!p0 $0x1;
	_ =	shalt  }
.Lfunc_end2:
_tile_overlayer_lowered:
.L_overlay_start_2:
0x55: {  	(tag) =	ssettag $0x2  }
0x56: {  	s0 =	rddreg [dreg:$0x0];
	s2 =	stileid.u32  }
0x57: {  	s1 =	rddreg [dreg:$0x1];
	p0 =	sne.s32 s2, $0x0  }
0x58: {  	s3 =	rddreg [dreg:$0x2];
	[bflag:$0x3] =	sbarrier.arrive $0xFFFF;
	s2 =	simm.s32 @!p0 $0x1C03  }
0x59: {  	[timem:s3], [sflag:s2] =	dma.local @!p0 [hbm:s0], s1  }
0x5a: {  	s0 =	simm.s32 @!p0 $0x3  }
0x5b: {  	_ =	swait.ge @!p0 [sflag:s0], s1  }
0x5c: {  	s1 =	ssub.s32 @!p0 $0x0, s1;
	[sflag:s0] =	ssyncset.done @!p0 $0x0  }
0x5d: {  	[sflag:s0] =	ssyncadd.s32 @!p0 s1  }
0x5e: {  	[bflag:$0x3] =	sbarrier.arrive $0xFFFF  }
0x5f: {  	_ =	shalt  }

</sc_bundles>
